<compile_context>
chip_gen: v7x
topology: tpu7x:2x2x1
jax: 0.10.2.dev20260603
libtpu: 0.0.44.dev20260713+nightly
codegen_flags: <defaults>
</compile_context>

<pallas_src>
import jax
import jax.numpy as jnp
from jax import lax
from jax.experimental import pallas as pl
from jax.experimental.pallas import tpu as pltpu
from jax.experimental.pallas import tpu_sc as plsc

W = 121
L = 16
NC, NS = 2, 16
NW = NC * NS

B, K = 16, 17
NBLK = B * K


def _body(f0_hbm, f1_hbm, flip_hbm, o0_hbm, o1_hbm,
          flip_v, i0, o0, i1, o1, osem):
  wid = lax.axis_index("s") * NC + lax.axis_index("c")
  pltpu.sync_copy(flip_hbm, flip_v)

  def do_field(in_hbm, out_hbm, ibuf, obuf, c_dim, signed):
    nb = (NBLK - wid + NW - 1) // NW

    def blk_body(j, carry):
      t = wid + NW * j
      b = lax.div(t, K)
      k = lax.rem(t, K)
      fkv = plsc.load_gather(flip_v, [jnp.full((L,), k, dtype=jnp.int32)])
      fk = jnp.max(fkv)
      pltpu.sync_copy(in_hbm.at[b, fk], ibuf)

      @pl.when(j > 0)
      def _drain():
        pltpu.make_async_copy(obuf, out_hbm.at[b, k], osem).wait()

      def row_body(y, rcarry):
        for c in range(c_dim):
          neg = signed and c == 0
          for jj in range(8):
            src = 105 - L * jj if jj < 7 else 0
            dst = L * jj if jj < 7 else 105
            v = lax.rev(ibuf[y, c, pl.ds(src, L)], (0,))
            if neg:
              v = -v
            obuf[y, c, pl.ds(dst, L)] = v
        return rcarry

      lax.fori_loop(0, W, row_body, 0)
      pltpu.async_copy(obuf, out_hbm.at[b, k], osem)
      return carry

    lax.fori_loop(0, nb, blk_body, 0)
    @pl.when(nb > 0)
    def _final_drain():
      pltpu.make_async_copy(obuf, out_hbm.at[0, 0], osem).wait()

  do_field(f0_hbm, o0_hbm, i0, o0, 1, False)
  do_field(f1_hbm, o1_hbm, i1, o1, 2, True)


@jax.jit
def kernel(field0, field1, flip_indices):
  mesh = plsc.VectorSubcoreMesh(core_axis_name="c", subcore_axis_name="s",
                                num_cores=NC, num_subcores=NS)
  fn = pl.kernel(
      _body,
      out_type=[
          jax.ShapeDtypeStruct((B, K, W, 1, W), jnp.float32),
          jax.ShapeDtypeStruct((B, K, W, 2, W), jnp.float32),
      ],
      mesh=mesh,
      compiler_params=pltpu.CompilerParams(needs_layout_passes=False),
      scratch_types=[
          pltpu.VMEM((K,), jnp.int32),
          pltpu.VMEM((W, 1, W), jnp.float32),
          pltpu.VMEM((W, 1, W), jnp.float32),
          pltpu.VMEM((W, 2, W), jnp.float32),
          pltpu.VMEM((W, 2, W), jnp.float32),
          pltpu.SemaphoreType.DMA,
      ],
  )
  f0t = jnp.transpose(field0, (0, 1, 3, 2, 4))
  f1t = jnp.transpose(field1, (0, 1, 3, 2, 4))
  o0t, o1t = fn(f0t, f1t, flip_indices)
  return (jnp.transpose(o0t, (0, 1, 3, 2, 4)),
          jnp.transpose(o1t, (0, 1, 3, 2, 4)))

# --- scband reference (transcript-rebuilt; emitter-appended) ---
"""Pipeline reference for scband-pif-hflip-3212635537461 (READ-ONLY COPY).

The authoritative reference and input builder live on the scoring server;
editing this copy changes nothing except your own understanding.
"""

import jax, jax.numpy as jnp
import numpy as np

COCO_KEYPOINTS = ["nose", "left_eye", "right_eye", "left_ear", "right_ear", "left_shoulder", "right_shoulder", "left_elbow", "right_elbow", "left_wrist", "right_wrist", "left_hip", "right_hip", "left_knee", "right_knee", "left_ankle", "right_ankle"]
HFLIP = {"left_eye": "right_eye", "right_eye": "left_eye", "left_ear": "right_ear", "right_ear": "left_ear", "left_shoulder": "right_shoulder", "right_shoulder": "left_shoulder", "left_elbow": "right_elbow", "right_elbow": "left_elbow", "left_wrist": "right_wrist", "right_wrist": "left_wrist", "left_hip": "right_hip", "right_hip": "left_hip", "left_knee": "right_knee", "right_knee": "left_knee", "left_ankle": "right_ankle", "right_ankle": "left_ankle"}


def setup_inputs(seed: int = 0):
    key = jax.random.key(seed)
    k0, k1 = jax.random.split(key)
    field0 = jax.random.normal(k0, (16, 17, 1, 121, 121), dtype=jnp.float32)
    field1 = jax.random.normal(k1, (16, 17, 2, 121, 121), dtype=jnp.float32)
    flip_indices = jnp.array(
        [COCO_KEYPOINTS.index(HFLIP[name]) if name in HFLIP else i
         for i, name in enumerate(COCO_KEYPOINTS)],
        dtype=jnp.int32,
    )
    return {"field0": field0, "field1": field1, "flip_indices": flip_indices}


def reference(field0, field1, flip_indices):
    out = []
    for field in (field0, field1):
        # torch.index_select(field, 1, flip_indices)
        field = jnp.take(field, flip_indices, axis=1)
        # torch.flip(field, dims=[len(field.shape) - 1])
        field = jnp.flip(field, axis=field.ndim - 1)
        out.append(field)
    # out[1][:, :, 0, :, :] *= -1.0  (negate x-offset channel)
    out[1] = out[1].at[:, :, 0, :, :].multiply(-1.0)
    return tuple(out)

if __name__ == "__main__":
    import jax
    _d = setup_inputs()
    print(jax.jit(kernel)(*tuple(_d.values())))

</pallas_src>

<mosaic_0001>
#map = affine_map<(d0, d1) -> (0, 0, 0, 0, 0)>
#map1 = affine_map<(d0, d1) -> (0)>
module attributes {stable_mosaic.version = 14 : i64} {
  func.func @_body(%arg0: i32, %arg1: i32, %arg2: memref<16x17x121x1x121xf32, #tpu.memory_space<hbm>>, %arg3: memref<16x17x121x2x121xf32, #tpu.memory_space<hbm>>, %arg4: memref<17xi32, #tpu.memory_space<hbm>>, %arg5: memref<16x17x121x1x121xf32, #tpu.memory_space<hbm>>, %arg6: memref<16x17x121x2x121xf32, #tpu.memory_space<hbm>>, %arg7: memref<17xi32, #tpu.memory_space<vmem>>, %arg8: memref<121x1x121xf32, #tpu.memory_space<vmem>>, %arg9: memref<121x1x121xf32, #tpu.memory_space<vmem>>, %arg10: memref<121x2x121xf32, #tpu.memory_space<vmem>>, %arg11: memref<121x2x121xf32, #tpu.memory_space<vmem>>, %arg12: memref<!tpu.dma_semaphore, #tpu.memory_space<semaphore_mem>>) attributes {dimension_semantics = [#tpu.dimension_semantics<core_parallel>, #tpu.dimension_semantics<subcore_parallel>], iteration_bounds = array<i64: 2, 16>, scalar_prefetch = 0 : i64, scratch_operands = 6 : i64, tpu.core_type = #tpu.core_type<sc_vector_subcore>, window_params = [{transform_indices = #map}, {transform_indices = #map}, {transform_indices = #map1}, {transform_indices = #map}, {transform_indices = #map}]} {
    %mul3A = arith.constant 2 : i32
    %mul3A_0 = arith.muli %arg1, %mul3A : i32
    %add3A = arith.addi %mul3A_0, %arg0 : i32
    "tpu.region"() ({
      %run_scoped3A = tpu.sem_alloc : memref<!tpu.dma_semaphore, #tpu.memory_space<semaphore_mem>>
      tpu.enqueue_dma source(%arg4 : memref<17xi32, #tpu.memory_space<hbm>>) target(%arg7 : memref<17xi32, #tpu.memory_space<vmem>>) target_semaphore(%run_scoped3A : memref<!tpu.dma_semaphore, #tpu.memory_space<semaphore_mem>>)
      tpu.wait_dma2 semaphore(%run_scoped3A : memref<!tpu.dma_semaphore, #tpu.memory_space<semaphore_mem>>) src(%arg4 : memref<17xi32, #tpu.memory_space<hbm>>) dst(%arg7 : memref<17xi32, #tpu.memory_space<vmem>>)
      tpu.yield
    }) : () -> ()
    %sub3A = arith.constant 272 : i32
    %sub3A_1 = arith.subi %sub3A, %add3A : i32
    %add3A_2 = arith.constant 32 : i32
    %add3A_3 = arith.addi %sub3A_1, %add3A_2 : i32
    %sub3A_4 = arith.constant 1 : i32
    %sub3A_5 = arith.subi %add3A_3, %sub3A_4 : i32
    %jit3A = arith.constant 32 : i32
    %div3A = arith.divsi %sub3A_5, %jit3A : i32
    %sign3A = arith.constant 0 : i32
    %sign3A_6 = arith.cmpi sgt, %sub3A_5, %sign3A : i32
    %sign3A_7 = arith.extui %sign3A_6 : i1 to i32
    %sign3A_8 = arith.constant 0 : i32
    %sign3A_9 = arith.cmpi slt, %sub3A_5, %sign3A_8 : i32
    %sign3A_10 = arith.extui %sign3A_9 : i1 to i32
    %sign3A_11 = arith.subi %sign3A_7, %sign3A_10 : i32
    %sign3A_12 = arith.constant 0 : i32
    %sign3A_13 = arith.cmpi sgt, %jit3A, %sign3A_12 : i32
    %sign3A_14 = arith.extui %sign3A_13 : i1 to i32
    %sign3A_15 = arith.constant 0 : i32
    %sign3A_16 = arith.cmpi slt, %jit3A, %sign3A_15 : i32
    %sign3A_17 = arith.extui %sign3A_16 : i1 to i32
    %sign3A_18 = arith.subi %sign3A_14, %sign3A_17 : i32
    %ne3A = arith.cmpi ne, %sign3A_11, %sign3A_18 : i32
    %rem3A = arith.remsi %sub3A_5, %jit3A : i32
    %ne3A_19 = arith.constant 0 : i32
    %ne3A_20 = arith.cmpi ne, %rem3A, %ne3A_19 : i32
    %and3A = arith.andi %ne3A, %ne3A_20 : i1
    %sub3A_21 = arith.constant 1 : i32
    %sub3A_22 = arith.subi %div3A, %sub3A_21 : i32
    %select_n3A = arith.select %and3A, %sub3A_22, %div3A : i32
    %while3A = arith.constant 0 : i32
    %while3A_23 = arith.constant 0 : i32
    %while3A_24 = arith.subi %select_n3A, %while3A_23 : i32
    %while3A_25 = arith.addi %while3A_23, %while3A_24 : i32
    %while3A_26 = arith.constant 1 : i32
    %while3A_27 = arith.divsi %while3A_24, %while3A_26 : i32
    %while3A_28 = arith.muli %while3A_27, %while3A_26 : i32
    %while3A_29 = arith.addi %while3A_23, %while3A_28 : i32
    %while3A_30 = arith.constant 1 : i32
    scf.for %while3A_79 = %while3A_23 to %while3A_29 step %while3A_30  : i32 {
      %mul3A_80 = arith.constant 32 : i32
      %mul3A_81 = arith.muli %mul3A_80, %while3A_79 : i32
      %add3A_82 = arith.addi %add3A, %mul3A_81 : i32
      %div3A_83 = arith.constant 17 : i32
      %div3A_84 = arith.divsi %add3A_82, %div3A_83 : i32
      %rem3A_85 = arith.constant 17 : i32
      %rem3A_86 = arith.remsi %add3A_82, %rem3A_85 : i32
      %broadcast_in_dim3A = vector.broadcast %rem3A_86 : i32 to vector<16xi32>
      %gather3A = tpu.vector_load_idx %arg7[%broadcast_in_dim3A] : memref<17xi32, #tpu.memory_space<vmem>>[vector<16xi32>], vector<16xi32>,
      %reduce_max3A = arith.constant true
      %reduce_max3A_87 = vector.broadcast %reduce_max3A : i1 to vector<16xi1>
      %reduce_max3A_88 = arith.constant -2147483648 : i32
      %reduce_max3A_89 = vector.broadcast %reduce_max3A_88 : i32 to vector<16xi32>
      %reduce_max3A_90 = arith.xori %gather3A, %reduce_max3A_89 : vector<16xi32>
      %reduce_max3A_91 = tpu.scan <max>, %reduce_max3A_90 masked %reduce_max3A_87 : vector<16xi32>, vector<16xi1> -> vector<16xi32>
      %reduce_max3A_92 = arith.xori %reduce_max3A_91, %reduce_max3A_89 : vector<16xi32>
      %reduce_max3A_93 = vector.extract %reduce_max3A_92[15] : i32 from vector<16xi32>
      "tpu.region"() ({
        %run_scoped3A = tpu.sem_alloc : memref<!tpu.dma_semaphore, #tpu.memory_space<semaphore_mem>>
        %dma_start3A_113 = arith.constant 0 : i32
        %dma_start3A_114 = arith.constant 0 : i32
        %dma_start3A_115 = arith.constant 0 : i32
        %dma_start3A_116 = tpu.memref_slice %arg2[%div3A_84, %reduce_max3A_93, %dma_start3A_113, %dma_start3A_114, %dma_start3A_115] : memref<16x17x121x1x121xf32, #tpu.memory_space<hbm>> -> memref<1x1x121x1x121xf32, #tpu.memory_space<hbm>>
        %dma_start3A_117 = tpu.memref_squeeze %dma_start3A_116 : memref<1x1x121x1x121xf32, #tpu.memory_space<hbm>> -> memref<121x1x121xf32, #tpu.memory_space<hbm>>
        %dma_start3A_118 = arith.constant 0 : i32
        %dma_start3A_119 = arith.constant 0 : i32
        %dma_start3A_120 = arith.constant 0 : i32
        %dma_start3A_121 = tpu.memref_slice %arg2[%div3A_84, %reduce_max3A_93, %dma_start3A_118, %dma_start3A_119, %dma_start3A_120] : memref<16x17x121x1x121xf32, #tpu.memory_space<hbm>> -> memref<1x1x121x1x121xf32, #tpu.memory_space<hbm>>
        %dma_start3A_122 = tpu.memref_squeeze %dma_start3A_121 : memref<1x1x121x1x121xf32, #tpu.memory_space<hbm>> -> memref<121x1x121xf32, #tpu.memory_space<hbm>>
        tpu.enqueue_dma source(%dma_start3A_122 : memref<121x1x121xf32, #tpu.memory_space<hbm>>) target(%arg8 : memref<121x1x121xf32, #tpu.memory_space<vmem>>) target_semaphore(%run_scoped3A : memref<!tpu.dma_semaphore, #tpu.memory_space<semaphore_mem>>)
        %dma_wait3A = arith.constant 0 : i32
        %dma_wait3A_123 = arith.constant 0 : i32
        %dma_wait3A_124 = arith.constant 0 : i32
        %dma_wait3A_125 = tpu.memref_slice %arg2[%div3A_84, %reduce_max3A_93, %dma_wait3A, %dma_wait3A_123, %dma_wait3A_124] : memref<16x17x121x1x121xf32, #tpu.memory_space<hbm>> -> memref<1x1x121x1x121xf32, #tpu.memory_space<hbm>>
        %dma_wait3A_126 = tpu.memref_squeeze %dma_wait3A_125 : memref<1x1x121x1x121xf32, #tpu.memory_space<hbm>> -> memref<121x1x121xf32, #tpu.memory_space<hbm>>
        %dma_wait3A_127 = arith.constant 0 : i32
        %dma_wait3A_128 = arith.constant 0 : i32
        %dma_wait3A_129 = arith.constant 0 : i32
        %dma_wait3A_130 = tpu.memref_slice %arg2[%div3A_84, %reduce_max3A_93, %dma_wait3A_127, %dma_wait3A_128, %dma_wait3A_129] : memref<16x17x121x1x121xf32, #tpu.memory_space<hbm>> -> memref<1x1x121x1x121xf32, #tpu.memory_space<hbm>>
        %dma_wait3A_131 = tpu.memref_squeeze %dma_wait3A_130 : memref<1x1x121x1x121xf32, #tpu.memory_space<hbm>> -> memref<121x1x121xf32, #tpu.memory_space<hbm>>
        tpu.wait_dma2 semaphore(%run_scoped3A : memref<!tpu.dma_semaphore, #tpu.memory_space<semaphore_mem>>) src(%dma_wait3A_131 : memref<121x1x121xf32, #tpu.memory_space<hbm>>) dst(%arg8 : memref<121x1x121xf32, #tpu.memory_space<vmem>>)
        tpu.yield
      }) : () -> ()
      %gt3A_94 = arith.constant 0 : i32
      %gt3A_95 = arith.cmpi sgt, %while3A_79, %gt3A_94 : i32
      %convert_element_type3A_96 = arith.extui %gt3A_95 : i1 to i32
      %cond3A_97 = arith.constant 0 : i32
      %cond3A_98 = arith.cmpi ne, %convert_element_type3A_96, %cond3A_97 : i32
      scf.if %cond3A_98 {
        %dma_wait3A = arith.constant 0 : i32
        %dma_wait3A_113 = arith.constant 0 : i32
        %dma_wait3A_114 = arith.constant 0 : i32
        %dma_wait3A_115 = tpu.memref_slice %arg5[%div3A_84, %rem3A_86, %dma_wait3A, %dma_wait3A_113, %dma_wait3A_114] : memref<16x17x121x1x121xf32, #tpu.memory_space<hbm>> -> memref<1x1x121x1x121xf32, #tpu.memory_space<hbm>>
        %dma_wait3A_116 = tpu.memref_squeeze %dma_wait3A_115 : memref<1x1x121x1x121xf32, #tpu.memory_space<hbm>> -> memref<121x1x121xf32, #tpu.memory_space<hbm>>
        %dma_wait3A_117 = arith.constant 0 : i32
        %dma_wait3A_118 = arith.constant 0 : i32
        %dma_wait3A_119 = arith.constant 0 : i32
        %dma_wait3A_120 = tpu.memref_slice %arg5[%div3A_84, %rem3A_86, %dma_wait3A_117, %dma_wait3A_118, %dma_wait3A_119] : memref<16x17x121x1x121xf32, #tpu.memory_space<hbm>> -> memref<1x1x121x1x121xf32, #tpu.memory_space<hbm>>
        %dma_wait3A_121 = tpu.memref_squeeze %dma_wait3A_120 : memref<1x1x121x1x121xf32, #tpu.memory_space<hbm>> -> memref<121x1x121xf32, #tpu.memory_space<hbm>>
        tpu.wait_dma2 semaphore(%arg12 : memref<!tpu.dma_semaphore, #tpu.memory_space<semaphore_mem>>) src(%arg9 : memref<121x1x121xf32, #tpu.memory_space<vmem>>) dst(%dma_wait3A_121 : memref<121x1x121xf32, #tpu.memory_space<hbm>>)
      } else {
      }
      %scan3A = arith.constant 0 : i32
      %scan3A_99 = arith.constant 0 : i32
      %scan3A_100 = arith.constant 121 : i32
      %scan3A_101 = arith.addi %scan3A_99, %scan3A_100 : i32
      %scan3A_102 = arith.constant 1 : i32
      scf.for %scan3A_113 = %scan3A_99 to %scan3A_101 step %scan3A_102  : i32 {
        %get3A = arith.constant 0 : i32
        %get3A_114 = arith.index_cast %scan3A_113 : i32 to index
        %get3A_115 = arith.index_cast %get3A : i32 to index
        %get3A_116 = arith.constant 105 : index
        %get3A_117 = tpu.vector_load %arg8[%get3A_114, %get3A_115, %get3A_116] {strides = array<i32>} : memref<121x1x121xf32, #tpu.memory_space<vmem>>, vector<16xf32>,
        %rev3A = arith.constant 15 : i32
        %rev3A_118 = vector.broadcast %rev3A : i32 to vector<16xi32>
        %rev3A_119 = tpu.iota {dimensions = array<i32: 0>} : vector<16xi32>
        %rev3A_120 = arith.subi %rev3A_118, %rev3A_119 : vector<16xi32>
        %rev3A_121 = tpu.dynamic_gather %get3A_117[%rev3A_120] in [0] : vector<16xf32>, vector<16xi32> -> vector<16xf32>
        %swap3A = arith.constant 0 : i32
        %swap3A_122 = arith.index_cast %scan3A_113 : i32 to index
        %swap3A_123 = arith.index_cast %swap3A : i32 to index
        %swap3A_124 = arith.constant 0 : index
        %swap3A_125 = tpu.vector_load %arg9[%swap3A_122, %swap3A_123, %swap3A_124] {strides = array<i32>} : memref<121x1x121xf32, #tpu.memory_space<vmem>>, vector<16xf32>,
        tpu.vector_store %arg9[%swap3A_122, %swap3A_123, %swap3A_124], %rev3A_121 {strides = array<i32>} : memref<121x1x121xf32, #tpu.memory_space<vmem>>, vector<16xf32>,
        %get3A_126 = arith.constant 0 : i32
        %get3A_127 = arith.index_cast %scan3A_113 : i32 to index
        %get3A_128 = arith.index_cast %get3A_126 : i32 to index
        %get3A_129 = arith.constant 89 : index
        %get3A_130 = tpu.vector_load %arg8[%get3A_127, %get3A_128, %get3A_129] {strides = array<i32>} : memref<121x1x121xf32, #tpu.memory_space<vmem>>, vector<16xf32>,
        %rev3A_131 = arith.constant 15 : i32
        %rev3A_132 = vector.broadcast %rev3A_131 : i32 to vector<16xi32>
        %rev3A_133 = tpu.iota {dimensions = array<i32: 0>} : vector<16xi32>
        %rev3A_134 = arith.subi %rev3A_132, %rev3A_133 : vector<16xi32>
        %rev3A_135 = tpu.dynamic_gather %get3A_130[%rev3A_134] in [0] : vector<16xf32>, vector<16xi32> -> vector<16xf32>
        %swap3A_136 = arith.constant 0 : i32
        %swap3A_137 = arith.index_cast %scan3A_113 : i32 to index
        %swap3A_138 = arith.index_cast %swap3A_136 : i32 to index
        %swap3A_139 = arith.constant 16 : index
        %swap3A_140 = tpu.vector_load %arg9[%swap3A_137, %swap3A_138, %swap3A_139] {strides = array<i32>} : memref<121x1x121xf32, #tpu.memory_space<vmem>>, vector<16xf32>,
        tpu.vector_store %arg9[%swap3A_137, %swap3A_138, %swap3A_139], %rev3A_135 {strides = array<i32>} : memref<121x1x121xf32, #tpu.memory_space<vmem>>, vector<16xf32>,
        %get3A_141 = arith.constant 0 : i32
        %get3A_142 = arith.index_cast %scan3A_113 : i32 to index
        %get3A_143 = arith.index_cast %get3A_141 : i32 to index
        %get3A_144 = arith.constant 73 : index
        %get3A_145 = tpu.vector_load %arg8[%get3A_142, %get3A_143, %get3A_144] {strides = array<i32>} : memref<121x1x121xf32, #tpu.memory_space<vmem>>, vector<16xf32>,
        %rev3A_146 = arith.constant 15 : i32
        %rev3A_147 = vector.broadcast %rev3A_146 : i32 to vector<16xi32>
        %rev3A_148 = tpu.iota {dimensions = array<i32: 0>} : vector<16xi32>
        %rev3A_149 = arith.subi %rev3A_147, %rev3A_148 : vector<16xi32>
        %rev3A_150 = tpu.dynamic_gather %get3A_145[%rev3A_149] in [0] : vector<16xf32>, vector<16xi32> -> vector<16xf32>
        %swap3A_151 = arith.constant 0 : i32
        %swap3A_152 = arith.index_cast %scan3A_113 : i32 to index
        %swap3A_153 = arith.index_cast %swap3A_151 : i32 to index
        %swap3A_154 = arith.constant 32 : index
        %swap3A_155 = tpu.vector_load %arg9[%swap3A_152, %swap3A_153, %swap3A_154] {strides = array<i32>} : memref<121x1x121xf32, #tpu.memory_space<vmem>>, vector<16xf32>,
        tpu.vector_store %arg9[%swap3A_152, %swap3A_153, %swap3A_154], %rev3A_150 {strides = array<i32>} : memref<121x1x121xf32, #tpu.memory_space<vmem>>, vector<16xf32>,
        %get3A_156 = arith.constant 0 : i32
        %get3A_157 = arith.index_cast %scan3A_113 : i32 to index
        %get3A_158 = arith.index_cast %get3A_156 : i32 to index
        %get3A_159 = arith.constant 57 : index
        %get3A_160 = tpu.vector_load %arg8[%get3A_157, %get3A_158, %get3A_159] {strides = array<i32>} : memref<121x1x121xf32, #tpu.memory_space<vmem>>, vector<16xf32>,
        %rev3A_161 = arith.constant 15 : i32
        %rev3A_162 = vector.broadcast %rev3A_161 : i32 to vector<16xi32>
        %rev3A_163 = tpu.iota {dimensions = array<i32: 0>} : vector<16xi32>
        %rev3A_164 = arith.subi %rev3A_162, %rev3A_163 : vector<16xi32>
        %rev3A_165 = tpu.dynamic_gather %get3A_160[%rev3A_164] in [0] : vector<16xf32>, vector<16xi32> -> vector<16xf32>
        %swap3A_166 = arith.constant 0 : i32
        %swap3A_167 = arith.index_cast %scan3A_113 : i32 to index
        %swap3A_168 = arith.index_cast %swap3A_166 : i32 to index
        %swap3A_169 = arith.constant 48 : index
        %swap3A_170 = tpu.vector_load %arg9[%swap3A_167, %swap3A_168, %swap3A_169] {strides = array<i32>} : memref<121x1x121xf32, #tpu.memory_space<vmem>>, vector<16xf32>,
        tpu.vector_store %arg9[%swap3A_167, %swap3A_168, %swap3A_169], %rev3A_165 {strides = array<i32>} : memref<121x1x121xf32, #tpu.memory_space<vmem>>, vector<16xf32>,
        %get3A_171 = arith.constant 0 : i32
        %get3A_172 = arith.index_cast %scan3A_113 : i32 to index
        %get3A_173 = arith.index_cast %get3A_171 : i32 to index
        %get3A_174 = arith.constant 41 : index
        %get3A_175 = tpu.vector_load %arg8[%get3A_172, %get3A_173, %get3A_174] {strides = array<i32>} : memref<121x1x121xf32, #tpu.memory_space<vmem>>, vector<16xf32>,
        %rev3A_176 = arith.constant 15 : i32
        %rev3A_177 = vector.broadcast %rev3A_176 : i32 to vector<16xi32>
        %rev3A_178 = tpu.iota {dimensions = array<i32: 0>} : vector<16xi32>
        %rev3A_179 = arith.subi %rev3A_177, %rev3A_178 : vector<16xi32>
        %rev3A_180 = tpu.dynamic_gather %get3A_175[%rev3A_179] in [0] : vector<16xf32>, vector<16xi32> -> vector<16xf32>
        %swap3A_181 = arith.constant 0 : i32
        %swap3A_182 = arith.index_cast %scan3A_113 : i32 to index
        %swap3A_183 = arith.index_cast %swap3A_181 : i32 to index
        %swap3A_184 = arith.constant 64 : index
        %swap3A_185 = tpu.vector_load %arg9[%swap3A_182, %swap3A_183, %swap3A_184] {strides = array<i32>} : memref<121x1x121xf32, #tpu.memory_space<vmem>>, vector<16xf32>,
        tpu.vector_store %arg9[%swap3A_182, %swap3A_183, %swap3A_184], %rev3A_180 {strides = array<i32>} : memref<121x1x121xf32, #tpu.memory_space<vmem>>, vector<16xf32>,
        %get3A_186 = arith.constant 0 : i32
        %get3A_187 = arith.index_cast %scan3A_113 : i32 to index
        %get3A_188 = arith.index_cast %get3A_186 : i32 to index
        %get3A_189 = arith.constant 25 : index
        %get3A_190 = tpu.vector_load %arg8[%get3A_187, %get3A_188, %get3A_189] {strides = array<i32>} : memref<121x1x121xf32, #tpu.memory_space<vmem>>, vector<16xf32>,
        %rev3A_191 = arith.constant 15 : i32
        %rev3A_192 = vector.broadcast %rev3A_191 : i32 to vector<16xi32>
        %rev3A_193 = tpu.iota {dimensions = array<i32: 0>} : vector<16xi32>
        %rev3A_194 = arith.subi %rev3A_192, %rev3A_193 : vector<16xi32>
        %rev3A_195 = tpu.dynamic_gather %get3A_190[%rev3A_194] in [0] : vector<16xf32>, vector<16xi32> -> vector<16xf32>
        %swap3A_196 = arith.constant 0 : i32
        %swap3A_197 = arith.index_cast %scan3A_113 : i32 to index
        %swap3A_198 = arith.index_cast %swap3A_196 : i32 to index
        %swap3A_199 = arith.constant 80 : index
        %swap3A_200 = tpu.vector_load %arg9[%swap3A_197, %swap3A_198, %swap3A_199] {strides = array<i32>} : memref<121x1x121xf32, #tpu.memory_space<vmem>>, vector<16xf32>,
        tpu.vector_store %arg9[%swap3A_197, %swap3A_198, %swap3A_199], %rev3A_195 {strides = array<i32>} : memref<121x1x121xf32, #tpu.memory_space<vmem>>, vector<16xf32>,
        %get3A_201 = arith.constant 0 : i32
        %get3A_202 = arith.index_cast %scan3A_113 : i32 to index
        %get3A_203 = arith.index_cast %get3A_201 : i32 to index
        %get3A_204 = arith.constant 9 : index
        %get3A_205 = tpu.vector_load %arg8[%get3A_202, %get3A_203, %get3A_204] {strides = array<i32>} : memref<121x1x121xf32, #tpu.memory_space<vmem>>, vector<16xf32>,
        %rev3A_206 = arith.constant 15 : i32
        %rev3A_207 = vector.broadcast %rev3A_206 : i32 to vector<16xi32>
        %rev3A_208 = tpu.iota {dimensions = array<i32: 0>} : vector<16xi32>
        %rev3A_209 = arith.subi %rev3A_207, %rev3A_208 : vector<16xi32>
        %rev3A_210 = tpu.dynamic_gather %get3A_205[%rev3A_209] in [0] : vector<16xf32>, vector<16xi32> -> vector<16xf32>
        %swap3A_211 = arith.constant 0 : i32
        %swap3A_212 = arith.index_cast %scan3A_113 : i32 to index
        %swap3A_213 = arith.index_cast %swap3A_211 : i32 to index
        %swap3A_214 = arith.constant 96 : index
        %swap3A_215 = tpu.vector_load %arg9[%swap3A_212, %swap3A_213, %swap3A_214] {strides = array<i32>} : memref<121x1x121xf32, #tpu.memory_space<vmem>>, vector<16xf32>,
        tpu.vector_store %arg9[%swap3A_212, %swap3A_213, %swap3A_214], %rev3A_210 {strides = array<i32>} : memref<121x1x121xf32, #tpu.memory_space<vmem>>, vector<16xf32>,
        %get3A_216 = arith.constant 0 : i32
        %get3A_217 = arith.index_cast %scan3A_113 : i32 to index
        %get3A_218 = arith.index_cast %get3A_216 : i32 to index
        %get3A_219 = arith.constant 0 : index
        %get3A_220 = tpu.vector_load %arg8[%get3A_217, %get3A_218, %get3A_219] {strides = array<i32>} : memref<121x1x121xf32, #tpu.memory_space<vmem>>, vector<16xf32>,
        %rev3A_221 = arith.constant 15 : i32
        %rev3A_222 = vector.broadcast %rev3A_221 : i32 to vector<16xi32>
        %rev3A_223 = tpu.iota {dimensions = array<i32: 0>} : vector<16xi32>
        %rev3A_224 = arith.subi %rev3A_222, %rev3A_223 : vector<16xi32>
        %rev3A_225 = tpu.dynamic_gather %get3A_220[%rev3A_224] in [0] : vector<16xf32>, vector<16xi32> -> vector<16xf32>
        %swap3A_226 = arith.constant 0 : i32
        %swap3A_227 = arith.index_cast %scan3A_113 : i32 to index
        %swap3A_228 = arith.index_cast %swap3A_226 : i32 to index
        %swap3A_229 = arith.constant 105 : index
        %swap3A_230 = tpu.vector_load %arg9[%swap3A_227, %swap3A_228, %swap3A_229] {strides = array<i32>} : memref<121x1x121xf32, #tpu.memory_space<vmem>>, vector<16xf32>,
        tpu.vector_store %arg9[%swap3A_227, %swap3A_228, %swap3A_229], %rev3A_225 {strides = array<i32>} : memref<121x1x121xf32, #tpu.memory_space<vmem>>, vector<16xf32>,
      }
      %scan3A_103 = arith.constant 121 : i32
      %dma_start3A = arith.constant 0 : i32
      %dma_start3A_104 = arith.constant 0 : i32
      %dma_start3A_105 = arith.constant 0 : i32
      %dma_start3A_106 = tpu.memref_slice %arg5[%div3A_84, %rem3A_86, %dma_start3A, %dma_start3A_104, %dma_start3A_105] : memref<16x17x121x1x121xf32, #tpu.memory_space<hbm>> -> memref<1x1x121x1x121xf32, #tpu.memory_space<hbm>>
      %dma_start3A_107 = tpu.memref_squeeze %dma_start3A_106 : memref<1x1x121x1x121xf32, #tpu.memory_space<hbm>> -> memref<121x1x121xf32, #tpu.memory_space<hbm>>
      %dma_start3A_108 = arith.constant 0 : i32
      %dma_start3A_109 = arith.constant 0 : i32
      %dma_start3A_110 = arith.constant 0 : i32
      %dma_start3A_111 = tpu.memref_slice %arg5[%div3A_84, %rem3A_86, %dma_start3A_108, %dma_start3A_109, %dma_start3A_110] : memref<16x17x121x1x121xf32, #tpu.memory_space<hbm>> -> memref<1x1x121x1x121xf32, #tpu.memory_space<hbm>>
      %dma_start3A_112 = tpu.memref_squeeze %dma_start3A_111 : memref<1x1x121x1x121xf32, #tpu.memory_space<hbm>> -> memref<121x1x121xf32, #tpu.memory_space<hbm>>
      tpu.enqueue_dma source(%arg9 : memref<121x1x121xf32, #tpu.memory_space<vmem>>) target(%dma_start3A_112 : memref<121x1x121xf32, #tpu.memory_space<hbm>>) target_semaphore(%arg12 : memref<!tpu.dma_semaphore, #tpu.memory_space<semaphore_mem>>)
    }
    %while3A_31 = arith.constant 1 : i32
    scf.for %while3A_79 = %while3A_29 to %while3A_25 step %while3A_31  : i32 {
      %mul3A_80 = arith.constant 32 : i32
      %mul3A_81 = arith.muli %mul3A_80, %while3A_79 : i32
      %add3A_82 = arith.addi %add3A, %mul3A_81 : i32
      %div3A_83 = arith.constant 17 : i32
      %div3A_84 = arith.divsi %add3A_82, %div3A_83 : i32
      %rem3A_85 = arith.constant 17 : i32
      %rem3A_86 = arith.remsi %add3A_82, %rem3A_85 : i32
      %broadcast_in_dim3A = vector.broadcast %rem3A_86 : i32 to vector<16xi32>
      %gather3A = tpu.vector_load_idx %arg7[%broadcast_in_dim3A] : memref<17xi32, #tpu.memory_space<vmem>>[vector<16xi32>], vector<16xi32>,
      %reduce_max3A = arith.constant true
      %reduce_max3A_87 = vector.broadcast %reduce_max3A : i1 to vector<16xi1>
      %reduce_max3A_88 = arith.constant -2147483648 : i32
      %reduce_max3A_89 = vector.broadcast %reduce_max3A_88 : i32 to vector<16xi32>
      %reduce_max3A_90 = arith.xori %gather3A, %reduce_max3A_89 : vector<16xi32>
      %reduce_max3A_91 = tpu.scan <max>, %reduce_max3A_90 masked %reduce_max3A_87 : vector<16xi32>, vector<16xi1> -> vector<16xi32>
      %reduce_max3A_92 = arith.xori %reduce_max3A_91, %reduce_max3A_89 : vector<16xi32>
      %reduce_max3A_93 = vector.extract %reduce_max3A_92[15] : i32 from vector<16xi32>
      "tpu.region"() ({
        %run_scoped3A = tpu.sem_alloc : memref<!tpu.dma_semaphore, #tpu.memory_space<semaphore_mem>>
        %dma_start3A_113 = arith.constant 0 : i32
        %dma_start3A_114 = arith.constant 0 : i32
        %dma_start3A_115 = arith.constant 0 : i32
        %dma_start3A_116 = tpu.memref_slice %arg2[%div3A_84, %reduce_max3A_93, %dma_start3A_113, %dma_start3A_114, %dma_start3A_115] : memref<16x17x121x1x121xf32, #tpu.memory_space<hbm>> -> memref<1x1x121x1x121xf32, #tpu.memory_space<hbm>>
        %dma_start3A_117 = tpu.memref_squeeze %dma_start3A_116 : memref<1x1x121x1x121xf32, #tpu.memory_space<hbm>> -> memref<121x1x121xf32, #tpu.memory_space<hbm>>
        %dma_start3A_118 = arith.constant 0 : i32
        %dma_start3A_119 = arith.constant 0 : i32
        %dma_start3A_120 = arith.constant 0 : i32
        %dma_start3A_121 = tpu.memref_slice %arg2[%div3A_84, %reduce_max3A_93, %dma_start3A_118, %dma_start3A_119, %dma_start3A_120] : memref<16x17x121x1x121xf32, #tpu.memory_space<hbm>> -> memref<1x1x121x1x121xf32, #tpu.memory_space<hbm>>
        %dma_start3A_122 = tpu.memref_squeeze %dma_start3A_121 : memref<1x1x121x1x121xf32, #tpu.memory_space<hbm>> -> memref<121x1x121xf32, #tpu.memory_space<hbm>>
        tpu.enqueue_dma source(%dma_start3A_122 : memref<121x1x121xf32, #tpu.memory_space<hbm>>) target(%arg8 : memref<121x1x121xf32, #tpu.memory_space<vmem>>) target_semaphore(%run_scoped3A : memref<!tpu.dma_semaphore, #tpu.memory_space<semaphore_mem>>)
        %dma_wait3A = arith.constant 0 : i32
        %dma_wait3A_123 = arith.constant 0 : i32
        %dma_wait3A_124 = arith.constant 0 : i32
        %dma_wait3A_125 = tpu.memref_slice %arg2[%div3A_84, %reduce_max3A_93, %dma_wait3A, %dma_wait3A_123, %dma_wait3A_124] : memref<16x17x121x1x121xf32, #tpu.memory_space<hbm>> -> memref<1x1x121x1x121xf32, #tpu.memory_space<hbm>>
        %dma_wait3A_126 = tpu.memref_squeeze %dma_wait3A_125 : memref<1x1x121x1x121xf32, #tpu.memory_space<hbm>> -> memref<121x1x121xf32, #tpu.memory_space<hbm>>
        %dma_wait3A_127 = arith.constant 0 : i32
        %dma_wait3A_128 = arith.constant 0 : i32
        %dma_wait3A_129 = arith.constant 0 : i32
        %dma_wait3A_130 = tpu.memref_slice %arg2[%div3A_84, %reduce_max3A_93, %dma_wait3A_127, %dma_wait3A_128, %dma_wait3A_129] : memref<16x17x121x1x121xf32, #tpu.memory_space<hbm>> -> memref<1x1x121x1x121xf32, #tpu.memory_space<hbm>>
        %dma_wait3A_131 = tpu.memref_squeeze %dma_wait3A_130 : memref<1x1x121x1x121xf32, #tpu.memory_space<hbm>> -> memref<121x1x121xf32, #tpu.memory_space<hbm>>
        tpu.wait_dma2 semaphore(%run_scoped3A : memref<!tpu.dma_semaphore, #tpu.memory_space<semaphore_mem>>) src(%dma_wait3A_131 : memref<121x1x121xf32, #tpu.memory_space<hbm>>) dst(%arg8 : memref<121x1x121xf32, #tpu.memory_space<vmem>>)
        tpu.yield
      }) : () -> ()
      %gt3A_94 = arith.constant 0 : i32
      %gt3A_95 = arith.cmpi sgt, %while3A_79, %gt3A_94 : i32
      %convert_element_type3A_96 = arith.extui %gt3A_95 : i1 to i32
      %cond3A_97 = arith.constant 0 : i32
      %cond3A_98 = arith.cmpi ne, %convert_element_type3A_96, %cond3A_97 : i32
      scf.if %cond3A_98 {
        %dma_wait3A = arith.constant 0 : i32
        %dma_wait3A_113 = arith.constant 0 : i32
        %dma_wait3A_114 = arith.constant 0 : i32
        %dma_wait3A_115 = tpu.memref_slice %arg5[%div3A_84, %rem3A_86, %dma_wait3A, %dma_wait3A_113, %dma_wait3A_114] : memref<16x17x121x1x121xf32, #tpu.memory_space<hbm>> -> memref<1x1x121x1x121xf32, #tpu.memory_space<hbm>>
        %dma_wait3A_116 = tpu.memref_squeeze %dma_wait3A_115 : memref<1x1x121x1x121xf32, #tpu.memory_space<hbm>> -> memref<121x1x121xf32, #tpu.memory_space<hbm>>
        %dma_wait3A_117 = arith.constant 0 : i32
        %dma_wait3A_118 = arith.constant 0 : i32
        %dma_wait3A_119 = arith.constant 0 : i32
        %dma_wait3A_120 = tpu.memref_slice %arg5[%div3A_84, %rem3A_86, %dma_wait3A_117, %dma_wait3A_118, %dma_wait3A_119] : memref<16x17x121x1x121xf32, #tpu.memory_space<hbm>> -> memref<1x1x121x1x121xf32, #tpu.memory_space<hbm>>
        %dma_wait3A_121 = tpu.memref_squeeze %dma_wait3A_120 : memref<1x1x121x1x121xf32, #tpu.memory_space<hbm>> -> memref<121x1x121xf32, #tpu.memory_space<hbm>>
        tpu.wait_dma2 semaphore(%arg12 : memref<!tpu.dma_semaphore, #tpu.memory_space<semaphore_mem>>) src(%arg9 : memref<121x1x121xf32, #tpu.memory_space<vmem>>) dst(%dma_wait3A_121 : memref<121x1x121xf32, #tpu.memory_space<hbm>>)
      } else {
      }
      %scan3A = arith.constant 0 : i32
      %scan3A_99 = arith.constant 0 : i32
      %scan3A_100 = arith.constant 121 : i32
      %scan3A_101 = arith.addi %scan3A_99, %scan3A_100 : i32
      %scan3A_102 = arith.constant 1 : i32
      scf.for %scan3A_113 = %scan3A_99 to %scan3A_101 step %scan3A_102  : i32 {
        %get3A = arith.constant 0 : i32
        %get3A_114 = arith.index_cast %scan3A_113 : i32 to index
        %get3A_115 = arith.index_cast %get3A : i32 to index
        %get3A_116 = arith.constant 105 : index
        %get3A_117 = tpu.vector_load %arg8[%get3A_114, %get3A_115, %get3A_116] {strides = array<i32>} : memref<121x1x121xf32, #tpu.memory_space<vmem>>, vector<16xf32>,
        %rev3A = arith.constant 15 : i32
        %rev3A_118 = vector.broadcast %rev3A : i32 to vector<16xi32>
        %rev3A_119 = tpu.iota {dimensions = array<i32: 0>} : vector<16xi32>
        %rev3A_120 = arith.subi %rev3A_118, %rev3A_119 : vector<16xi32>
        %rev3A_121 = tpu.dynamic_gather %get3A_117[%rev3A_120] in [0] : vector<16xf32>, vector<16xi32> -> vector<16xf32>
        %swap3A = arith.constant 0 : i32
        %swap3A_122 = arith.index_cast %scan3A_113 : i32 to index
        %swap3A_123 = arith.index_cast %swap3A : i32 to index
        %swap3A_124 = arith.constant 0 : index
        %swap3A_125 = tpu.vector_load %arg9[%swap3A_122, %swap3A_123, %swap3A_124] {strides = array<i32>} : memref<121x1x121xf32, #tpu.memory_space<vmem>>, vector<16xf32>,
        tpu.vector_store %arg9[%swap3A_122, %swap3A_123, %swap3A_124], %rev3A_121 {strides = array<i32>} : memref<121x1x121xf32, #tpu.memory_space<vmem>>, vector<16xf32>,
        %get3A_126 = arith.constant 0 : i32
        %get3A_127 = arith.index_cast %scan3A_113 : i32 to index
        %get3A_128 = arith.index_cast %get3A_126 : i32 to index
        %get3A_129 = arith.constant 89 : index
        %get3A_130 = tpu.vector_load %arg8[%get3A_127, %get3A_128, %get3A_129] {strides = array<i32>} : memref<121x1x121xf32, #tpu.memory_space<vmem>>, vector<16xf32>,
        %rev3A_131 = arith.constant 15 : i32
        %rev3A_132 = vector.broadcast %rev3A_131 : i32 to vector<16xi32>
        %rev3A_133 = tpu.iota {dimensions = array<i32: 0>} : vector<16xi32>
        %rev3A_134 = arith.subi %rev3A_132, %rev3A_133 : vector<16xi32>
        %rev3A_135 = tpu.dynamic_gather %get3A_130[%rev3A_134] in [0] : vector<16xf32>, vector<16xi32> -> vector<16xf32>
        %swap3A_136 = arith.constant 0 : i32
        %swap3A_137 = arith.index_cast %scan3A_113 : i32 to index
        %swap3A_138 = arith.index_cast %swap3A_136 : i32 to index
        %swap3A_139 = arith.constant 16 : index
        %swap3A_140 = tpu.vector_load %arg9[%swap3A_137, %swap3A_138, %swap3A_139] {strides = array<i32>} : memref<121x1x121xf32, #tpu.memory_space<vmem>>, vector<16xf32>,
        tpu.vector_store %arg9[%swap3A_137, %swap3A_138, %swap3A_139], %rev3A_135 {strides = array<i32>} : memref<121x1x121xf32, #tpu.memory_space<vmem>>, vector<16xf32>,
        %get3A_141 = arith.constant 0 : i32
        %get3A_142 = arith.index_cast %scan3A_113 : i32 to index
        %get3A_143 = arith.index_cast %get3A_141 : i32 to index
        %get3A_144 = arith.constant 73 : index
        %get3A_145 = tpu.vector_load %arg8[%get3A_142, %get3A_143, %get3A_144] {strides = array<i32>} : memref<121x1x121xf32, #tpu.memory_space<vmem>>, vector<16xf32>,
        %rev3A_146 = arith.constant 15 : i32
        %rev3A_147 = vector.broadcast %rev3A_146 : i32 to vector<16xi32>
        %rev3A_148 = tpu.iota {dimensions = array<i32: 0>} : vector<16xi32>
        %rev3A_149 = arith.subi %rev3A_147, %rev3A_148 : vector<16xi32>
        %rev3A_150 = tpu.dynamic_gather %get3A_145[%rev3A_149] in [0] : vector<16xf32>, vector<16xi32> -> vector<16xf32>
        %swap3A_151 = arith.constant 0 : i32
        %swap3A_152 = arith.index_cast %scan3A_113 : i32 to index
        %swap3A_153 = arith.index_cast %swap3A_151 : i32 to index
        %swap3A_154 = arith.constant 32 : index
        %swap3A_155 = tpu.vector_load %arg9[%swap3A_152, %swap3A_153, %swap3A_154] {strides = array<i32>} : memref<121x1x121xf32, #tpu.memory_space<vmem>>, vector<16xf32>,
        tpu.vector_store %arg9[%swap3A_152, %swap3A_153, %swap3A_154], %rev3A_150 {strides = array<i32>} : memref<121x1x121xf32, #tpu.memory_space<vmem>>, vector<16xf32>,
        %get3A_156 = arith.constant 0 : i32
        %get3A_157 = arith.index_cast %scan3A_113 : i32 to index
        %get3A_158 = arith.index_cast %get3A_156 : i32 to index
        %get3A_159 = arith.constant 57 : index
        %get3A_160 = tpu.vector_load %arg8[%get3A_157, %get3A_158, %get3A_159] {strides = array<i32>} : memref<121x1x121xf32, #tpu.memory_space<vmem>>, vector<16xf32>,
        %rev3A_161 = arith.constant 15 : i32
        %rev3A_162 = vector.broadcast %rev3A_161 : i32 to vector<16xi32>
        %rev3A_163 = tpu.iota {dimensions = array<i32: 0>} : vector<16xi32>
        %rev3A_164 = arith.subi %rev3A_162, %rev3A_163 : vector<16xi32>
        %rev3A_165 = tpu.dynamic_gather %get3A_160[%rev3A_164] in [0] : vector<16xf32>, vector<16xi32> -> vector<16xf32>
        %swap3A_166 = arith.constant 0 : i32
        %swap3A_167 = arith.index_cast %scan3A_113 : i32 to index
        %swap3A_168 = arith.index_cast %swap3A_166 : i32 to index
        %swap3A_169 = arith.constant 48 : index
        %swap3A_170 = tpu.vector_load %arg9[%swap3A_167, %swap3A_168, %swap3A_169] {strides = array<i32>} : memref<121x1x121xf32, #tpu.memory_space<vmem>>, vector<16xf32>,
        tpu.vector_store %arg9[%swap3A_167, %swap3A_168, %swap3A_169], %rev3A_165 {strides = array<i32>} : memref<121x1x121xf32, #tpu.memory_space<vmem>>, vector<16xf32>,
        %get3A_171 = arith.constant 0 : i32
        %get3A_172 = arith.index_cast %scan3A_113 : i32 to index
        %get3A_173 = arith.index_cast %get3A_171 : i32 to index
        %get3A_174 = arith.constant 41 : index
        %get3A_175 = tpu.vector_load %arg8[%get3A_172, %get3A_173, %get3A_174] {strides = array<i32>} : memref<121x1x121xf32, #tpu.memory_space<vmem>>, vector<16xf32>,
        %rev3A_176 = arith.constant 15 : i32
        %rev3A_177 = vector.broadcast %rev3A_176 : i32 to vector<16xi32>
        %rev3A_178 = tpu.iota {dimensions = array<i32: 0>} : vector<16xi32>
        %rev3A_179 = arith.subi %rev3A_177, %rev3A_178 : vector<16xi32>
        %rev3A_180 = tpu.dynamic_gather %get3A_175[%rev3A_179] in [0] : vector<16xf32>, vector<16xi32> -> vector<16xf32>
        %swap3A_181 = arith.constant 0 : i32
        %swap3A_182 = arith.index_cast %scan3A_113 : i32 to index
        %swap3A_183 = arith.index_cast %swap3A_181 : i32 to index
        %swap3A_184 = arith.constant 64 : index
        %swap3A_185 = tpu.vector_load %arg9[%swap3A_182, %swap3A_183, %swap3A_184] {strides = array<i32>} : memref<121x1x121xf32, #tpu.memory_space<vmem>>, vector<16xf32>,
        tpu.vector_store %arg9[%swap3A_182, %swap3A_183, %swap3A_184], %rev3A_180 {strides = array<i32>} : memref<121x1x121xf32, #tpu.memory_space<vmem>>, vector<16xf32>,
        %get3A_186 = arith.constant 0 : i32
        %get3A_187 = arith.index_cast %scan3A_113 : i32 to index
        %get3A_188 = arith.index_cast %get3A_186 : i32 to index
        %get3A_189 = arith.constant 25 : index
        %get3A_190 = tpu.vector_load %arg8[%get3A_187, %get3A_188, %get3A_189] {strides = array<i32>} : memref<121x1x121xf32, #tpu.memory_space<vmem>>, vector<16xf32>,
        %rev3A_191 = arith.constant 15 : i32
        %rev3A_192 = vector.broadcast %rev3A_191 : i32 to vector<16xi32>
        %rev3A_193 = tpu.iota {dimensions = array<i32: 0>} : vector<16xi32>
        %rev3A_194 = arith.subi %rev3A_192, %rev3A_193 : vector<16xi32>
        %rev3A_195 = tpu.dynamic_gather %get3A_190[%rev3A_194] in [0] : vector<16xf32>, vector<16xi32> -> vector<16xf32>
        %swap3A_196 = arith.constant 0 : i32
        %swap3A_197 = arith.index_cast %scan3A_113 : i32 to index
        %swap3A_198 = arith.index_cast %swap3A_196 : i32 to index
        %swap3A_199 = arith.constant 80 : index
        %swap3A_200 = tpu.vector_load %arg9[%swap3A_197, %swap3A_198, %swap3A_199] {strides = array<i32>} : memref<121x1x121xf32, #tpu.memory_space<vmem>>, vector<16xf32>,
        tpu.vector_store %arg9[%swap3A_197, %swap3A_198, %swap3A_199], %rev3A_195 {strides = array<i32>} : memref<121x1x121xf32, #tpu.memory_space<vmem>>, vector<16xf32>,
        %get3A_201 = arith.constant 0 : i32
        %get3A_202 = arith.index_cast %scan3A_113 : i32 to index
        %get3A_203 = arith.index_cast %get3A_201 : i32 to index
        %get3A_204 = arith.constant 9 : index
        %get3A_205 = tpu.vector_load %arg8[%get3A_202, %get3A_203, %get3A_204] {strides = array<i32>} : memref<121x1x121xf32, #tpu.memory_space<vmem>>, vector<16xf32>,
        %rev3A_206 = arith.constant 15 : i32
        %rev3A_207 = vector.broadcast %rev3A_206 : i32 to vector<16xi32>
        %rev3A_208 = tpu.iota {dimensions = array<i32: 0>} : vector<16xi32>
        %rev3A_209 = arith.subi %rev3A_207, %rev3A_208 : vector<16xi32>
        %rev3A_210 = tpu.dynamic_gather %get3A_205[%rev3A_209] in [0] : vector<16xf32>, vector<16xi32> -> vector<16xf32>
        %swap3A_211 = arith.constant 0 : i32
        %swap3A_212 = arith.index_cast %scan3A_113 : i32 to index
        %swap3A_213 = arith.index_cast %swap3A_211 : i32 to index
        %swap3A_214 = arith.constant 96 : index
        %swap3A_215 = tpu.vector_load %arg9[%swap3A_212, %swap3A_213, %swap3A_214] {strides = array<i32>} : memref<121x1x121xf32, #tpu.memory_space<vmem>>, vector<16xf32>,
        tpu.vector_store %arg9[%swap3A_212, %swap3A_213, %swap3A_214], %rev3A_210 {strides = array<i32>} : memref<121x1x121xf32, #tpu.memory_space<vmem>>, vector<16xf32>,
        %get3A_216 = arith.constant 0 : i32
        %get3A_217 = arith.index_cast %scan3A_113 : i32 to index
        %get3A_218 = arith.index_cast %get3A_216 : i32 to index
        %get3A_219 = arith.constant 0 : index
        %get3A_220 = tpu.vector_load %arg8[%get3A_217, %get3A_218, %get3A_219] {strides = array<i32>} : memref<121x1x121xf32, #tpu.memory_space<vmem>>, vector<16xf32>,
        %rev3A_221 = arith.constant 15 : i32
        %rev3A_222 = vector.broadcast %rev3A_221 : i32 to vector<16xi32>
        %rev3A_223 = tpu.iota {dimensions = array<i32: 0>} : vector<16xi32>
        %rev3A_224 = arith.subi %rev3A_222, %rev3A_223 : vector<16xi32>
        %rev3A_225 = tpu.dynamic_gather %get3A_220[%rev3A_224] in [0] : vector<16xf32>, vector<16xi32> -> vector<16xf32>
        %swap3A_226 = arith.constant 0 : i32
        %swap3A_227 = arith.index_cast %scan3A_113 : i32 to index
        %swap3A_228 = arith.index_cast %swap3A_226 : i32 to index
        %swap3A_229 = arith.constant 105 : index
        %swap3A_230 = tpu.vector_load %arg9[%swap3A_227, %swap3A_228, %swap3A_229] {strides = array<i32>} : memref<121x1x121xf32, #tpu.memory_space<vmem>>, vector<16xf32>,
        tpu.vector_store %arg9[%swap3A_227, %swap3A_228, %swap3A_229], %rev3A_225 {strides = array<i32>} : memref<121x1x121xf32, #tpu.memory_space<vmem>>, vector<16xf32>,
      }
      %scan3A_103 = arith.constant 121 : i32
      %dma_start3A = arith.constant 0 : i32
      %dma_start3A_104 = arith.constant 0 : i32
      %dma_start3A_105 = arith.constant 0 : i32
      %dma_start3A_106 = tpu.memref_slice %arg5[%div3A_84, %rem3A_86, %dma_start3A, %dma_start3A_104, %dma_start3A_105] : memref<16x17x121x1x121xf32, #tpu.memory_space<hbm>> -> memref<1x1x121x1x121xf32, #tpu.memory_space<hbm>>
      %dma_start3A_107 = tpu.memref_squeeze %dma_start3A_106 : memref<1x1x121x1x121xf32, #tpu.memory_space<hbm>> -> memref<121x1x121xf32, #tpu.memory_space<hbm>>
      %dma_start3A_108 = arith.constant 0 : i32
      %dma_start3A_109 = arith.constant 0 : i32
      %dma_start3A_110 = arith.constant 0 : i32
      %dma_start3A_111 = tpu.memref_slice %arg5[%div3A_84, %rem3A_86, %dma_start3A_108, %dma_start3A_109, %dma_start3A_110] : memref<16x17x121x1x121xf32, #tpu.memory_space<hbm>> -> memref<1x1x121x1x121xf32, #tpu.memory_space<hbm>>
      %dma_start3A_112 = tpu.memref_squeeze %dma_start3A_111 : memref<1x1x121x1x121xf32, #tpu.memory_space<hbm>> -> memref<121x1x121xf32, #tpu.memory_space<hbm>>
      tpu.enqueue_dma source(%arg9 : memref<121x1x121xf32, #tpu.memory_space<vmem>>) target(%dma_start3A_112 : memref<121x1x121xf32, #tpu.memory_space<hbm>>) target_semaphore(%arg12 : memref<!tpu.dma_semaphore, #tpu.memory_space<semaphore_mem>>)
    }
    %gt3A = arith.constant 0 : i32
    %gt3A_32 = arith.cmpi sgt, %select_n3A, %gt3A : i32
    %convert_element_type3A = arith.extui %gt3A_32 : i1 to i32
    %cond3A = arith.constant 0 : i32
    %cond3A_33 = arith.cmpi ne, %convert_element_type3A, %cond3A : i32
    scf.if %cond3A_33 {
      %dma_wait3A = arith.constant 0 : i32
      %dma_wait3A_79 = arith.constant 0 : i32
      %dma_wait3A_80 = arith.constant 0 : i32
      %dma_wait3A_81 = arith.constant 0 : i32
      %dma_wait3A_82 = arith.constant 0 : i32
      %dma_wait3A_83 = tpu.memref_slice %arg5[%dma_wait3A, %dma_wait3A_79, %dma_wait3A_80, %dma_wait3A_81, %dma_wait3A_82] : memref<16x17x121x1x121xf32, #tpu.memory_space<hbm>> -> memref<1x1x121x1x121xf32, #tpu.memory_space<hbm>>
      %dma_wait3A_84 = tpu.memref_squeeze %dma_wait3A_83 : memref<1x1x121x1x121xf32, #tpu.memory_space<hbm>> -> memref<121x1x121xf32, #tpu.memory_space<hbm>>
      %dma_wait3A_85 = arith.constant 0 : i32
      %dma_wait3A_86 = arith.constant 0 : i32
      %dma_wait3A_87 = arith.constant 0 : i32
      %dma_wait3A_88 = tpu.memref_slice %arg5[%dma_wait3A, %dma_wait3A_79, %dma_wait3A_85, %dma_wait3A_86, %dma_wait3A_87] : memref<16x17x121x1x121xf32, #tpu.memory_space<hbm>> -> memref<1x1x121x1x121xf32, #tpu.memory_space<hbm>>
      %dma_wait3A_89 = tpu.memref_squeeze %dma_wait3A_88 : memref<1x1x121x1x121xf32, #tpu.memory_space<hbm>> -> memref<121x1x121xf32, #tpu.memory_space<hbm>>
      tpu.wait_dma2 semaphore(%arg12 : memref<!tpu.dma_semaphore, #tpu.memory_space<semaphore_mem>>) src(%arg9 : memref<121x1x121xf32, #tpu.memory_space<vmem>>) dst(%dma_wait3A_89 : memref<121x1x121xf32, #tpu.memory_space<hbm>>)
    } else {
    }
    %sub3A_34 = arith.constant 272 : i32
    %sub3A_35 = arith.subi %sub3A_34, %add3A : i32
    %add3A_36 = arith.constant 32 : i32
    %add3A_37 = arith.addi %sub3A_35, %add3A_36 : i32
    %sub3A_38 = arith.constant 1 : i32
    %sub3A_39 = arith.subi %add3A_37, %sub3A_38 : i32
    %jit3A_40 = arith.constant 32 : i32
    %div3A_41 = arith.divsi %sub3A_39, %jit3A_40 : i32
    %sign3A_42 = arith.constant 0 : i32
    %sign3A_43 = arith.cmpi sgt, %sub3A_39, %sign3A_42 : i32
    %sign3A_44 = arith.extui %sign3A_43 : i1 to i32
    %sign3A_45 = arith.constant 0 : i32
    %sign3A_46 = arith.cmpi slt, %sub3A_39, %sign3A_45 : i32
    %sign3A_47 = arith.extui %sign3A_46 : i1 to i32
    %sign3A_48 = arith.subi %sign3A_44, %sign3A_47 : i32
    %sign3A_49 = arith.constant 0 : i32
    %sign3A_50 = arith.cmpi sgt, %jit3A_40, %sign3A_49 : i32
    %sign3A_51 = arith.extui %sign3A_50 : i1 to i32
    %sign3A_52 = arith.constant 0 : i32
    %sign3A_53 = arith.cmpi slt, %jit3A_40, %sign3A_52 : i32
    %sign3A_54 = arith.extui %sign3A_53 : i1 to i32
    %sign3A_55 = arith.subi %sign3A_51, %sign3A_54 : i32
    %ne3A_56 = arith.cmpi ne, %sign3A_48, %sign3A_55 : i32
    %rem3A_57 = arith.remsi %sub3A_39, %jit3A_40 : i32
    %ne3A_58 = arith.constant 0 : i32
    %ne3A_59 = arith.cmpi ne, %rem3A_57, %ne3A_58 : i32
    %and3A_60 = arith.andi %ne3A_56, %ne3A_59 : i1
    %sub3A_61 = arith.constant 1 : i32
    %sub3A_62 = arith.subi %div3A_41, %sub3A_61 : i32
    %select_n3A_63 = arith.select %and3A_60, %sub3A_62, %div3A_41 : i32
    %while3A_64 = arith.constant 0 : i32
    %while3A_65 = arith.constant 0 : i32
    %while3A_66 = arith.subi %select_n3A_63, %while3A_65 : i32
    %while3A_67 = arith.addi %while3A_65, %while3A_66 : i32
    %while3A_68 = arith.constant 1 : i32
    %while3A_69 = arith.divsi %while3A_66, %while3A_68 : i32
    %while3A_70 = arith.muli %while3A_69, %while3A_68 : i32
    %while3A_71 = arith.addi %while3A_65, %while3A_70 : i32
    %while3A_72 = arith.constant 1 : i32
    scf.for %while3A_79 = %while3A_65 to %while3A_71 step %while3A_72  : i32 {
      %mul3A_80 = arith.constant 32 : i32
      %mul3A_81 = arith.muli %mul3A_80, %while3A_79 : i32
      %add3A_82 = arith.addi %add3A, %mul3A_81 : i32
      %div3A_83 = arith.constant 17 : i32
      %div3A_84 = arith.divsi %add3A_82, %div3A_83 : i32
      %rem3A_85 = arith.constant 17 : i32
      %rem3A_86 = arith.remsi %add3A_82, %rem3A_85 : i32
      %broadcast_in_dim3A = vector.broadcast %rem3A_86 : i32 to vector<16xi32>
      %gather3A = tpu.vector_load_idx %arg7[%broadcast_in_dim3A] : memref<17xi32, #tpu.memory_space<vmem>>[vector<16xi32>], vector<16xi32>,
      %reduce_max3A = arith.constant true
      %reduce_max3A_87 = vector.broadcast %reduce_max3A : i1 to vector<16xi1>
      %reduce_max3A_88 = arith.constant -2147483648 : i32
      %reduce_max3A_89 = vector.broadcast %reduce_max3A_88 : i32 to vector<16xi32>
      %reduce_max3A_90 = arith.xori %gather3A, %reduce_max3A_89 : vector<16xi32>
      %reduce_max3A_91 = tpu.scan <max>, %reduce_max3A_90 masked %reduce_max3A_87 : vector<16xi32>, vector<16xi1> -> vector<16xi32>
      %reduce_max3A_92 = arith.xori %reduce_max3A_91, %reduce_max3A_89 : vector<16xi32>
      %reduce_max3A_93 = vector.extract %reduce_max3A_92[15] : i32 from vector<16xi32>
      "tpu.region"() ({
        %run_scoped3A = tpu.sem_alloc : memref<!tpu.dma_semaphore, #tpu.memory_space<semaphore_mem>>
        %dma_start3A_113 = arith.constant 0 : i32
        %dma_start3A_114 = arith.constant 0 : i32
        %dma_start3A_115 = arith.constant 0 : i32
        %dma_start3A_116 = tpu.memref_slice %arg3[%div3A_84, %reduce_max3A_93, %dma_start3A_113, %dma_start3A_114, %dma_start3A_115] : memref<16x17x121x2x121xf32, #tpu.memory_space<hbm>> -> memref<1x1x121x2x121xf32, #tpu.memory_space<hbm>>
        %dma_start3A_117 = tpu.memref_squeeze %dma_start3A_116 : memref<1x1x121x2x121xf32, #tpu.memory_space<hbm>> -> memref<121x2x121xf32, #tpu.memory_space<hbm>>
        %dma_start3A_118 = arith.constant 0 : i32
        %dma_start3A_119 = arith.constant 0 : i32
        %dma_start3A_120 = arith.constant 0 : i32
        %dma_start3A_121 = tpu.memref_slice %arg3[%div3A_84, %reduce_max3A_93, %dma_start3A_118, %dma_start3A_119, %dma_start3A_120] : memref<16x17x121x2x121xf32, #tpu.memory_space<hbm>> -> memref<1x1x121x2x121xf32, #tpu.memory_space<hbm>>
        %dma_start3A_122 = tpu.memref_squeeze %dma_start3A_121 : memref<1x1x121x2x121xf32, #tpu.memory_space<hbm>> -> memref<121x2x121xf32, #tpu.memory_space<hbm>>
        tpu.enqueue_dma source(%dma_start3A_122 : memref<121x2x121xf32, #tpu.memory_space<hbm>>) target(%arg10 : memref<121x2x121xf32, #tpu.memory_space<vmem>>) target_semaphore(%run_scoped3A : memref<!tpu.dma_semaphore, #tpu.memory_space<semaphore_mem>>)
        %dma_wait3A = arith.constant 0 : i32
        %dma_wait3A_123 = arith.constant 0 : i32
        %dma_wait3A_124 = arith.constant 0 : i32
        %dma_wait3A_125 = tpu.memref_slice %arg3[%div3A_84, %reduce_max3A_93, %dma_wait3A, %dma_wait3A_123, %dma_wait3A_124] : memref<16x17x121x2x121xf32, #tpu.memory_space<hbm>> -> memref<1x1x121x2x121xf32, #tpu.memory_space<hbm>>
        %dma_wait3A_126 = tpu.memref_squeeze %dma_wait3A_125 : memref<1x1x121x2x121xf32, #tpu.memory_space<hbm>> -> memref<121x2x121xf32, #tpu.memory_space<hbm>>
        %dma_wait3A_127 = arith.constant 0 : i32
        %dma_wait3A_128 = arith.constant 0 : i32
        %dma_wait3A_129 = arith.constant 0 : i32
        %dma_wait3A_130 = tpu.memref_slice %arg3[%div3A_84, %reduce_max3A_93, %dma_wait3A_127, %dma_wait3A_128, %dma_wait3A_129] : memref<16x17x121x2x121xf32, #tpu.memory_space<hbm>> -> memref<1x1x121x2x121xf32, #tpu.memory_space<hbm>>
        %dma_wait3A_131 = tpu.memref_squeeze %dma_wait3A_130 : memref<1x1x121x2x121xf32, #tpu.memory_space<hbm>> -> memref<121x2x121xf32, #tpu.memory_space<hbm>>
        tpu.wait_dma2 semaphore(%run_scoped3A : memref<!tpu.dma_semaphore, #tpu.memory_space<semaphore_mem>>) src(%dma_wait3A_131 : memref<121x2x121xf32, #tpu.memory_space<hbm>>) dst(%arg10 : memref<121x2x121xf32, #tpu.memory_space<vmem>>)
        tpu.yield
      }) : () -> ()
      %gt3A_94 = arith.constant 0 : i32
      %gt3A_95 = arith.cmpi sgt, %while3A_79, %gt3A_94 : i32
      %convert_element_type3A_96 = arith.extui %gt3A_95 : i1 to i32
      %cond3A_97 = arith.constant 0 : i32
      %cond3A_98 = arith.cmpi ne, %convert_element_type3A_96, %cond3A_97 : i32
      scf.if %cond3A_98 {
        %dma_wait3A = arith.constant 0 : i32
        %dma_wait3A_113 = arith.constant 0 : i32
        %dma_wait3A_114 = arith.constant 0 : i32
        %dma_wait3A_115 = tpu.memref_slice %arg6[%div3A_84, %rem3A_86, %dma_wait3A, %dma_wait3A_113, %dma_wait3A_114] : memref<16x17x121x2x121xf32, #tpu.memory_space<hbm>> -> memref<1x1x121x2x121xf32, #tpu.memory_space<hbm>>
        %dma_wait3A_116 = tpu.memref_squeeze %dma_wait3A_115 : memref<1x1x121x2x121xf32, #tpu.memory_space<hbm>> -> memref<121x2x121xf32, #tpu.memory_space<hbm>>
        %dma_wait3A_117 = arith.constant 0 : i32
        %dma_wait3A_118 = arith.constant 0 : i32
        %dma_wait3A_119 = arith.constant 0 : i32
        %dma_wait3A_120 = tpu.memref_slice %arg6[%div3A_84, %rem3A_86, %dma_wait3A_117, %dma_wait3A_118, %dma_wait3A_119] : memref<16x17x121x2x121xf32, #tpu.memory_space<hbm>> -> memref<1x1x121x2x121xf32, #tpu.memory_space<hbm>>
        %dma_wait3A_121 = tpu.memref_squeeze %dma_wait3A_120 : memref<1x1x121x2x121xf32, #tpu.memory_space<hbm>> -> memref<121x2x121xf32, #tpu.memory_space<hbm>>
        tpu.wait_dma2 semaphore(%arg12 : memref<!tpu.dma_semaphore, #tpu.memory_space<semaphore_mem>>) src(%arg11 : memref<121x2x121xf32, #tpu.memory_space<vmem>>) dst(%dma_wait3A_121 : memref<121x2x121xf32, #tpu.memory_space<hbm>>)
      } else {
      }
      %scan3A = arith.constant 0 : i32
      %scan3A_99 = arith.constant 0 : i32
      %scan3A_100 = arith.constant 121 : i32
      %scan3A_101 = arith.addi %scan3A_99, %scan3A_100 : i32
      %scan3A_102 = arith.constant 1 : i32
      scf.for %scan3A_113 = %scan3A_99 to %scan3A_101 step %scan3A_102  : i32 {
        %get3A = arith.constant 0 : i32
        %get3A_114 = arith.index_cast %scan3A_113 : i32 to index
        %get3A_115 = arith.index_cast %get3A : i32 to index
        %get3A_116 = arith.constant 105 : index
        %get3A_117 = tpu.vector_load %arg10[%get3A_114, %get3A_115, %get3A_116] {strides = array<i32>} : memref<121x2x121xf32, #tpu.memory_space<vmem>>, vector<16xf32>,
        %rev3A = arith.constant 15 : i32
        %rev3A_118 = vector.broadcast %rev3A : i32 to vector<16xi32>
        %rev3A_119 = tpu.iota {dimensions = array<i32: 0>} : vector<16xi32>
        %rev3A_120 = arith.subi %rev3A_118, %rev3A_119 : vector<16xi32>
        %rev3A_121 = tpu.dynamic_gather %get3A_117[%rev3A_120] in [0] : vector<16xf32>, vector<16xi32> -> vector<16xf32>
        %neg3A = arith.constant 0.000000e+00 : f32
        %neg3A_122 = vector.broadcast %neg3A : f32 to vector<16xf32>
        %neg3A_123 = arith.subf %neg3A_122, %rev3A_121 : vector<16xf32>
        %swap3A = arith.constant 0 : i32
        %swap3A_124 = arith.index_cast %scan3A_113 : i32 to index
        %swap3A_125 = arith.index_cast %swap3A : i32 to index
        %swap3A_126 = arith.constant 0 : index
        %swap3A_127 = tpu.vector_load %arg11[%swap3A_124, %swap3A_125, %swap3A_126] {strides = array<i32>} : memref<121x2x121xf32, #tpu.memory_space<vmem>>, vector<16xf32>,
        tpu.vector_store %arg11[%swap3A_124, %swap3A_125, %swap3A_126], %neg3A_123 {strides = array<i32>} : memref<121x2x121xf32, #tpu.memory_space<vmem>>, vector<16xf32>,
        %get3A_128 = arith.constant 0 : i32
        %get3A_129 = arith.index_cast %scan3A_113 : i32 to index
        %get3A_130 = arith.index_cast %get3A_128 : i32 to index
        %get3A_131 = arith.constant 89 : index
        %get3A_132 = tpu.vector_load %arg10[%get3A_129, %get3A_130, %get3A_131] {strides = array<i32>} : memref<121x2x121xf32, #tpu.memory_space<vmem>>, vector<16xf32>,
        %rev3A_133 = arith.constant 15 : i32
        %rev3A_134 = vector.broadcast %rev3A_133 : i32 to vector<16xi32>
        %rev3A_135 = tpu.iota {dimensions = array<i32: 0>} : vector<16xi32>
        %rev3A_136 = arith.subi %rev3A_134, %rev3A_135 : vector<16xi32>
        %rev3A_137 = tpu.dynamic_gather %get3A_132[%rev3A_136] in [0] : vector<16xf32>, vector<16xi32> -> vector<16xf32>
        %neg3A_138 = arith.constant 0.000000e+00 : f32
        %neg3A_139 = vector.broadcast %neg3A_138 : f32 to vector<16xf32>
        %neg3A_140 = arith.subf %neg3A_139, %rev3A_137 : vector<16xf32>
        %swap3A_141 = arith.constant 0 : i32
        %swap3A_142 = arith.index_cast %scan3A_113 : i32 to index
        %swap3A_143 = arith.index_cast %swap3A_141 : i32 to index
        %swap3A_144 = arith.constant 16 : index
        %swap3A_145 = tpu.vector_load %arg11[%swap3A_142, %swap3A_143, %swap3A_144] {strides = array<i32>} : memref<121x2x121xf32, #tpu.memory_space<vmem>>, vector<16xf32>,
        tpu.vector_store %arg11[%swap3A_142, %swap3A_143, %swap3A_144], %neg3A_140 {strides = array<i32>} : memref<121x2x121xf32, #tpu.memory_space<vmem>>, vector<16xf32>,
        %get3A_146 = arith.constant 0 : i32
        %get3A_147 = arith.index_cast %scan3A_113 : i32 to index
        %get3A_148 = arith.index_cast %get3A_146 : i32 to index
        %get3A_149 = arith.constant 73 : index
        %get3A_150 = tpu.vector_load %arg10[%get3A_147, %get3A_148, %get3A_149] {strides = array<i32>} : memref<121x2x121xf32, #tpu.memory_space<vmem>>, vector<16xf32>,
        %rev3A_151 = arith.constant 15 : i32
        %rev3A_152 = vector.broadcast %rev3A_151 : i32 to vector<16xi32>
        %rev3A_153 = tpu.iota {dimensions = array<i32: 0>} : vector<16xi32>
        %rev3A_154 = arith.subi %rev3A_152, %rev3A_153 : vector<16xi32>
        %rev3A_155 = tpu.dynamic_gather %get3A_150[%rev3A_154] in [0] : vector<16xf32>, vector<16xi32> -> vector<16xf32>
        %neg3A_156 = arith.constant 0.000000e+00 : f32
        %neg3A_157 = vector.broadcast %neg3A_156 : f32 to vector<16xf32>
        %neg3A_158 = arith.subf %neg3A_157, %rev3A_155 : vector<16xf32>
        %swap3A_159 = arith.constant 0 : i32
        %swap3A_160 = arith.index_cast %scan3A_113 : i32 to index
        %swap3A_161 = arith.index_cast %swap3A_159 : i32 to index
        %swap3A_162 = arith.constant 32 : index
        %swap3A_163 = tpu.vector_load %arg11[%swap3A_160, %swap3A_161, %swap3A_162] {strides = array<i32>} : memref<121x2x121xf32, #tpu.memory_space<vmem>>, vector<16xf32>,
        tpu.vector_store %arg11[%swap3A_160, %swap3A_161, %swap3A_162], %neg3A_158 {strides = array<i32>} : memref<121x2x121xf32, #tpu.memory_space<vmem>>, vector<16xf32>,
        %get3A_164 = arith.constant 0 : i32
        %get3A_165 = arith.index_cast %scan3A_113 : i32 to index
        %get3A_166 = arith.index_cast %get3A_164 : i32 to index
        %get3A_167 = arith.constant 57 : index
        %get3A_168 = tpu.vector_load %arg10[%get3A_165, %get3A_166, %get3A_167] {strides = array<i32>} : memref<121x2x121xf32, #tpu.memory_space<vmem>>, vector<16xf32>,
        %rev3A_169 = arith.constant 15 : i32
        %rev3A_170 = vector.broadcast %rev3A_169 : i32 to vector<16xi32>
        %rev3A_171 = tpu.iota {dimensions = array<i32: 0>} : vector<16xi32>
        %rev3A_172 = arith.subi %rev3A_170, %rev3A_171 : vector<16xi32>
        %rev3A_173 = tpu.dynamic_gather %get3A_168[%rev3A_172] in [0] : vector<16xf32>, vector<16xi32> -> vector<16xf32>
        %neg3A_174 = arith.constant 0.000000e+00 : f32
        %neg3A_175 = vector.broadcast %neg3A_174 : f32 to vector<16xf32>
        %neg3A_176 = arith.subf %neg3A_175, %rev3A_173 : vector<16xf32>
        %swap3A_177 = arith.constant 0 : i32
        %swap3A_178 = arith.index_cast %scan3A_113 : i32 to index
        %swap3A_179 = arith.index_cast %swap3A_177 : i32 to index
        %swap3A_180 = arith.constant 48 : index
        %swap3A_181 = tpu.vector_load %arg11[%swap3A_178, %swap3A_179, %swap3A_180] {strides = array<i32>} : memref<121x2x121xf32, #tpu.memory_space<vmem>>, vector<16xf32>,
        tpu.vector_store %arg11[%swap3A_178, %swap3A_179, %swap3A_180], %neg3A_176 {strides = array<i32>} : memref<121x2x121xf32, #tpu.memory_space<vmem>>, vector<16xf32>,
        %get3A_182 = arith.constant 0 : i32
        %get3A_183 = arith.index_cast %scan3A_113 : i32 to index
        %get3A_184 = arith.index_cast %get3A_182 : i32 to index
        %get3A_185 = arith.constant 41 : index
        %get3A_186 = tpu.vector_load %arg10[%get3A_183, %get3A_184, %get3A_185] {strides = array<i32>} : memref<121x2x121xf32, #tpu.memory_space<vmem>>, vector<16xf32>,
        %rev3A_187 = arith.constant 15 : i32
        %rev3A_188 = vector.broadcast %rev3A_187 : i32 to vector<16xi32>
        %rev3A_189 = tpu.iota {dimensions = array<i32: 0>} : vector<16xi32>
        %rev3A_190 = arith.subi %rev3A_188, %rev3A_189 : vector<16xi32>
        %rev3A_191 = tpu.dynamic_gather %get3A_186[%rev3A_190] in [0] : vector<16xf32>, vector<16xi32> -> vector<16xf32>
        %neg3A_192 = arith.constant 0.000000e+00 : f32
        %neg3A_193 = vector.broadcast %neg3A_192 : f32 to vector<16xf32>
        %neg3A_194 = arith.subf %neg3A_193, %rev3A_191 : vector<16xf32>
        %swap3A_195 = arith.constant 0 : i32
        %swap3A_196 = arith.index_cast %scan3A_113 : i32 to index
        %swap3A_197 = arith.index_cast %swap3A_195 : i32 to index
        %swap3A_198 = arith.constant 64 : index
        %swap3A_199 = tpu.vector_load %arg11[%swap3A_196, %swap3A_197, %swap3A_198] {strides = array<i32>} : memref<121x2x121xf32, #tpu.memory_space<vmem>>, vector<16xf32>,
        tpu.vector_store %arg11[%swap3A_196, %swap3A_197, %swap3A_198], %neg3A_194 {strides = array<i32>} : memref<121x2x121xf32, #tpu.memory_space<vmem>>, vector<16xf32>,
        %get3A_200 = arith.constant 0 : i32
        %get3A_201 = arith.index_cast %scan3A_113 : i32 to index
        %get3A_202 = arith.index_cast %get3A_200 : i32 to index
        %get3A_203 = arith.constant 25 : index
        %get3A_204 = tpu.vector_load %arg10[%get3A_201, %get3A_202, %get3A_203] {strides = array<i32>} : memref<121x2x121xf32, #tpu.memory_space<vmem>>, vector<16xf32>,
        %rev3A_205 = arith.constant 15 : i32
        %rev3A_206 = vector.broadcast %rev3A_205 : i32 to vector<16xi32>
        %rev3A_207 = tpu.iota {dimensions = array<i32: 0>} : vector<16xi32>
        %rev3A_208 = arith.subi %rev3A_206, %rev3A_207 : vector<16xi32>
        %rev3A_209 = tpu.dynamic_gather %get3A_204[%rev3A_208] in [0] : vector<16xf32>, vector<16xi32> -> vector<16xf32>
        %neg3A_210 = arith.constant 0.000000e+00 : f32
        %neg3A_211 = vector.broadcast %neg3A_210 : f32 to vector<16xf32>
        %neg3A_212 = arith.subf %neg3A_211, %rev3A_209 : vector<16xf32>
        %swap3A_213 = arith.constant 0 : i32
        %swap3A_214 = arith.index_cast %scan3A_113 : i32 to index
        %swap3A_215 = arith.index_cast %swap3A_213 : i32 to index
        %swap3A_216 = arith.constant 80 : index
        %swap3A_217 = tpu.vector_load %arg11[%swap3A_214, %swap3A_215, %swap3A_216] {strides = array<i32>} : memref<121x2x121xf32, #tpu.memory_space<vmem>>, vector<16xf32>,
        tpu.vector_store %arg11[%swap3A_214, %swap3A_215, %swap3A_216], %neg3A_212 {strides = array<i32>} : memref<121x2x121xf32, #tpu.memory_space<vmem>>, vector<16xf32>,
        %get3A_218 = arith.constant 0 : i32
        %get3A_219 = arith.index_cast %scan3A_113 : i32 to index
        %get3A_220 = arith.index_cast %get3A_218 : i32 to index
        %get3A_221 = arith.constant 9 : index
        %get3A_222 = tpu.vector_load %arg10[%get3A_219, %get3A_220, %get3A_221] {strides = array<i32>} : memref<121x2x121xf32, #tpu.memory_space<vmem>>, vector<16xf32>,
        %rev3A_223 = arith.constant 15 : i32
        %rev3A_224 = vector.broadcast %rev3A_223 : i32 to vector<16xi32>
        %rev3A_225 = tpu.iota {dimensions = array<i32: 0>} : vector<16xi32>
        %rev3A_226 = arith.subi %rev3A_224, %rev3A_225 : vector<16xi32>
        %rev3A_227 = tpu.dynamic_gather %get3A_222[%rev3A_226] in [0] : vector<16xf32>, vector<16xi32> -> vector<16xf32>
        %neg3A_228 = arith.constant 0.000000e+00 : f32
        %neg3A_229 = vector.broadcast %neg3A_228 : f32 to vector<16xf32>
        %neg3A_230 = arith.subf %neg3A_229, %rev3A_227 : vector<16xf32>
        %swap3A_231 = arith.constant 0 : i32
        %swap3A_232 = arith.index_cast %scan3A_113 : i32 to index
        %swap3A_233 = arith.index_cast %swap3A_231 : i32 to index
        %swap3A_234 = arith.constant 96 : index
        %swap3A_235 = tpu.vector_load %arg11[%swap3A_232, %swap3A_233, %swap3A_234] {strides = array<i32>} : memref<121x2x121xf32, #tpu.memory_space<vmem>>, vector<16xf32>,
        tpu.vector_store %arg11[%swap3A_232, %swap3A_233, %swap3A_234], %neg3A_230 {strides = array<i32>} : memref<121x2x121xf32, #tpu.memory_space<vmem>>, vector<16xf32>,
        %get3A_236 = arith.constant 0 : i32
        %get3A_237 = arith.index_cast %scan3A_113 : i32 to index
        %get3A_238 = arith.index_cast %get3A_236 : i32 to index
        %get3A_239 = arith.constant 0 : index
        %get3A_240 = tpu.vector_load %arg10[%get3A_237, %get3A_238, %get3A_239] {strides = array<i32>} : memref<121x2x121xf32, #tpu.memory_space<vmem>>, vector<16xf32>,
        %rev3A_241 = arith.constant 15 : i32
        %rev3A_242 = vector.broadcast %rev3A_241 : i32 to vector<16xi32>
        %rev3A_243 = tpu.iota {dimensions = array<i32: 0>} : vector<16xi32>
        %rev3A_244 = arith.subi %rev3A_242, %rev3A_243 : vector<16xi32>
        %rev3A_245 = tpu.dynamic_gather %get3A_240[%rev3A_244] in [0] : vector<16xf32>, vector<16xi32> -> vector<16xf32>
        %neg3A_246 = arith.constant 0.000000e+00 : f32
        %neg3A_247 = vector.broadcast %neg3A_246 : f32 to vector<16xf32>
        %neg3A_248 = arith.subf %neg3A_247, %rev3A_245 : vector<16xf32>
        %swap3A_249 = arith.constant 0 : i32
        %swap3A_250 = arith.index_cast %scan3A_113 : i32 to index
        %swap3A_251 = arith.index_cast %swap3A_249 : i32 to index
        %swap3A_252 = arith.constant 105 : index
        %swap3A_253 = tpu.vector_load %arg11[%swap3A_250, %swap3A_251, %swap3A_252] {strides = array<i32>} : memref<121x2x121xf32, #tpu.memory_space<vmem>>, vector<16xf32>,
        tpu.vector_store %arg11[%swap3A_250, %swap3A_251, %swap3A_252], %neg3A_248 {strides = array<i32>} : memref<121x2x121xf32, #tpu.memory_space<vmem>>, vector<16xf32>,
        %get3A_254 = arith.constant 1 : i32
        %get3A_255 = arith.index_cast %scan3A_113 : i32 to index
        %get3A_256 = arith.index_cast %get3A_254 : i32 to index
        %get3A_257 = arith.constant 105 : index
        %get3A_258 = tpu.vector_load %arg10[%get3A_255, %get3A_256, %get3A_257] {strides = array<i32>} : memref<121x2x121xf32, #tpu.memory_space<vmem>>, vector<16xf32>,
        %rev3A_259 = arith.constant 15 : i32
        %rev3A_260 = vector.broadcast %rev3A_259 : i32 to vector<16xi32>
        %rev3A_261 = tpu.iota {dimensions = array<i32: 0>} : vector<16xi32>
        %rev3A_262 = arith.subi %rev3A_260, %rev3A_261 : vector<16xi32>
        %rev3A_263 = tpu.dynamic_gather %get3A_258[%rev3A_262] in [0] : vector<16xf32>, vector<16xi32> -> vector<16xf32>
        %swap3A_264 = arith.constant 1 : i32
        %swap3A_265 = arith.index_cast %scan3A_113 : i32 to index
        %swap3A_266 = arith.index_cast %swap3A_264 : i32 to index
        %swap3A_267 = arith.constant 0 : index
        %swap3A_268 = tpu.vector_load %arg11[%swap3A_265, %swap3A_266, %swap3A_267] {strides = array<i32>} : memref<121x2x121xf32, #tpu.memory_space<vmem>>, vector<16xf32>,
        tpu.vector_store %arg11[%swap3A_265, %swap3A_266, %swap3A_267], %rev3A_263 {strides = array<i32>} : memref<121x2x121xf32, #tpu.memory_space<vmem>>, vector<16xf32>,
        %get3A_269 = arith.constant 1 : i32
        %get3A_270 = arith.index_cast %scan3A_113 : i32 to index
        %get3A_271 = arith.index_cast %get3A_269 : i32 to index
        %get3A_272 = arith.constant 89 : index
        %get3A_273 = tpu.vector_load %arg10[%get3A_270, %get3A_271, %get3A_272] {strides = array<i32>} : memref<121x2x121xf32, #tpu.memory_space<vmem>>, vector<16xf32>,
        %rev3A_274 = arith.constant 15 : i32
        %rev3A_275 = vector.broadcast %rev3A_274 : i32 to vector<16xi32>
        %rev3A_276 = tpu.iota {dimensions = array<i32: 0>} : vector<16xi32>
        %rev3A_277 = arith.subi %rev3A_275, %rev3A_276 : vector<16xi32>
        %rev3A_278 = tpu.dynamic_gather %get3A_273[%rev3A_277] in [0] : vector<16xf32>, vector<16xi32> -> vector<16xf32>
        %swap3A_279 = arith.constant 1 : i32
        %swap3A_280 = arith.index_cast %scan3A_113 : i32 to index
        %swap3A_281 = arith.index_cast %swap3A_279 : i32 to index
        %swap3A_282 = arith.constant 16 : index
        %swap3A_283 = tpu.vector_load %arg11[%swap3A_280, %swap3A_281, %swap3A_282] {strides = array<i32>} : memref<121x2x121xf32, #tpu.memory_space<vmem>>, vector<16xf32>,
        tpu.vector_store %arg11[%swap3A_280, %swap3A_281, %swap3A_282], %rev3A_278 {strides = array<i32>} : memref<121x2x121xf32, #tpu.memory_space<vmem>>, vector<16xf32>,
        %get3A_284 = arith.constant 1 : i32
        %get3A_285 = arith.index_cast %scan3A_113 : i32 to index
        %get3A_286 = arith.index_cast %get3A_284 : i32 to index
        %get3A_287 = arith.constant 73 : index
        %get3A_288 = tpu.vector_load %arg10[%get3A_285, %get3A_286, %get3A_287] {strides = array<i32>} : memref<121x2x121xf32, #tpu.memory_space<vmem>>, vector<16xf32>,
        %rev3A_289 = arith.constant 15 : i32
        %rev3A_290 = vector.broadcast %rev3A_289 : i32 to vector<16xi32>
        %rev3A_291 = tpu.iota {dimensions = array<i32: 0>} : vector<16xi32>
        %rev3A_292 = arith.subi %rev3A_290, %rev3A_291 : vector<16xi32>
        %rev3A_293 = tpu.dynamic_gather %get3A_288[%rev3A_292] in [0] : vector<16xf32>, vector<16xi32> -> vector<16xf32>
        %swap3A_294 = arith.constant 1 : i32
        %swap3A_295 = arith.index_cast %scan3A_113 : i32 to index
        %swap3A_296 = arith.index_cast %swap3A_294 : i32 to index
        %swap3A_297 = arith.constant 32 : index
        %swap3A_298 = tpu.vector_load %arg11[%swap3A_295, %swap3A_296, %swap3A_297] {strides = array<i32>} : memref<121x2x121xf32, #tpu.memory_space<vmem>>, vector<16xf32>,
        tpu.vector_store %arg11[%swap3A_295, %swap3A_296, %swap3A_297], %rev3A_293 {strides = array<i32>} : memref<121x2x121xf32, #tpu.memory_space<vmem>>, vector<16xf32>,
        %get3A_299 = arith.constant 1 : i32
        %get3A_300 = arith.index_cast %scan3A_113 : i32 to index
        %get3A_301 = arith.index_cast %get3A_299 : i32 to index
        %get3A_302 = arith.constant 57 : index
        %get3A_303 = tpu.vector_load %arg10[%get3A_300, %get3A_301, %get3A_302] {strides = array<i32>} : memref<121x2x121xf32, #tpu.memory_space<vmem>>, vector<16xf32>,
        %rev3A_304 = arith.constant 15 : i32
        %rev3A_305 = vector.broadcast %rev3A_304 : i32 to vector<16xi32>
        %rev3A_306 = tpu.iota {dimensions = array<i32: 0>} : vector<16xi32>
        %rev3A_307 = arith.subi %rev3A_305, %rev3A_306 : vector<16xi32>
        %rev3A_308 = tpu.dynamic_gather %get3A_303[%rev3A_307] in [0] : vector<16xf32>, vector<16xi32> -> vector<16xf32>
        %swap3A_309 = arith.constant 1 : i32
        %swap3A_310 = arith.index_cast %scan3A_113 : i32 to index
        %swap3A_311 = arith.index_cast %swap3A_309 : i32 to index
        %swap3A_312 = arith.constant 48 : index
        %swap3A_313 = tpu.vector_load %arg11[%swap3A_310, %swap3A_311, %swap3A_312] {strides = array<i32>} : memref<121x2x121xf32, #tpu.memory_space<vmem>>, vector<16xf32>,
        tpu.vector_store %arg11[%swap3A_310, %swap3A_311, %swap3A_312], %rev3A_308 {strides = array<i32>} : memref<121x2x121xf32, #tpu.memory_space<vmem>>, vector<16xf32>,
        %get3A_314 = arith.constant 1 : i32
        %get3A_315 = arith.index_cast %scan3A_113 : i32 to index
        %get3A_316 = arith.index_cast %get3A_314 : i32 to index
        %get3A_317 = arith.constant 41 : index
        %get3A_318 = tpu.vector_load %arg10[%get3A_315, %get3A_316, %get3A_317] {strides = array<i32>} : memref<121x2x121xf32, #tpu.memory_space<vmem>>, vector<16xf32>,
        %rev3A_319 = arith.constant 15 : i32
        %rev3A_320 = vector.broadcast %rev3A_319 : i32 to vector<16xi32>
        %rev3A_321 = tpu.iota {dimensions = array<i32: 0>} : vector<16xi32>
        %rev3A_322 = arith.subi %rev3A_320, %rev3A_321 : vector<16xi32>
        %rev3A_323 = tpu.dynamic_gather %get3A_318[%rev3A_322] in [0] : vector<16xf32>, vector<16xi32> -> vector<16xf32>
        %swap3A_324 = arith.constant 1 : i32
        %swap3A_325 = arith.index_cast %scan3A_113 : i32 to index
        %swap3A_326 = arith.index_cast %swap3A_324 : i32 to index
        %swap3A_327 = arith.constant 64 : index
        %swap3A_328 = tpu.vector_load %arg11[%swap3A_325, %swap3A_326, %swap3A_327] {strides = array<i32>} : memref<121x2x121xf32, #tpu.memory_space<vmem>>, vector<16xf32>,
        tpu.vector_store %arg11[%swap3A_325, %swap3A_326, %swap3A_327], %rev3A_323 {strides = array<i32>} : memref<121x2x121xf32, #tpu.memory_space<vmem>>, vector<16xf32>,
        %get3A_329 = arith.constant 1 : i32
        %get3A_330 = arith.index_cast %scan3A_113 : i32 to index
        %get3A_331 = arith.index_cast %get3A_329 : i32 to index
        %get3A_332 = arith.constant 25 : index
        %get3A_333 = tpu.vector_load %arg10[%get3A_330, %get3A_331, %get3A_332] {strides = array<i32>} : memref<121x2x121xf32, #tpu.memory_space<vmem>>, vector<16xf32>,
        %rev3A_334 = arith.constant 15 : i32
        %rev3A_335 = vector.broadcast %rev3A_334 : i32 to vector<16xi32>
        %rev3A_336 = tpu.iota {dimensions = array<i32: 0>} : vector<16xi32>
        %rev3A_337 = arith.subi %rev3A_335, %rev3A_336 : vector<16xi32>
        %rev3A_338 = tpu.dynamic_gather %get3A_333[%rev3A_337] in [0] : vector<16xf32>, vector<16xi32> -> vector<16xf32>
        %swap3A_339 = arith.constant 1 : i32
        %swap3A_340 = arith.index_cast %scan3A_113 : i32 to index
        %swap3A_341 = arith.index_cast %swap3A_339 : i32 to index
        %swap3A_342 = arith.constant 80 : index
        %swap3A_343 = tpu.vector_load %arg11[%swap3A_340, %swap3A_341, %swap3A_342] {strides = array<i32>} : memref<121x2x121xf32, #tpu.memory_space<vmem>>, vector<16xf32>,
        tpu.vector_store %arg11[%swap3A_340, %swap3A_341, %swap3A_342], %rev3A_338 {strides = array<i32>} : memref<121x2x121xf32, #tpu.memory_space<vmem>>, vector<16xf32>,
        %get3A_344 = arith.constant 1 : i32
        %get3A_345 = arith.index_cast %scan3A_113 : i32 to index
        %get3A_346 = arith.index_cast %get3A_344 : i32 to index
        %get3A_347 = arith.constant 9 : index
        %get3A_348 = tpu.vector_load %arg10[%get3A_345, %get3A_346, %get3A_347] {strides = array<i32>} : memref<121x2x121xf32, #tpu.memory_space<vmem>>, vector<16xf32>,
        %rev3A_349 = arith.constant 15 : i32
        %rev3A_350 = vector.broadcast %rev3A_349 : i32 to vector<16xi32>
        %rev3A_351 = tpu.iota {dimensions = array<i32: 0>} : vector<16xi32>
        %rev3A_352 = arith.subi %rev3A_350, %rev3A_351 : vector<16xi32>
        %rev3A_353 = tpu.dynamic_gather %get3A_348[%rev3A_352] in [0] : vector<16xf32>, vector<16xi32> -> vector<16xf32>
        %swap3A_354 = arith.constant 1 : i32
        %swap3A_355 = arith.index_cast %scan3A_113 : i32 to index
        %swap3A_356 = arith.index_cast %swap3A_354 : i32 to index
        %swap3A_357 = arith.constant 96 : index
        %swap3A_358 = tpu.vector_load %arg11[%swap3A_355, %swap3A_356, %swap3A_357] {strides = array<i32>} : memref<121x2x121xf32, #tpu.memory_space<vmem>>, vector<16xf32>,
        tpu.vector_store %arg11[%swap3A_355, %swap3A_356, %swap3A_357], %rev3A_353 {strides = array<i32>} : memref<121x2x121xf32, #tpu.memory_space<vmem>>, vector<16xf32>,
        %get3A_359 = arith.constant 1 : i32
        %get3A_360 = arith.index_cast %scan3A_113 : i32 to index
        %get3A_361 = arith.index_cast %get3A_359 : i32 to index
        %get3A_362 = arith.constant 0 : index
        %get3A_363 = tpu.vector_load %arg10[%get3A_360, %get3A_361, %get3A_362] {strides = array<i32>} : memref<121x2x121xf32, #tpu.memory_space<vmem>>, vector<16xf32>,
        %rev3A_364 = arith.constant 15 : i32
        %rev3A_365 = vector.broadcast %rev3A_364 : i32 to vector<16xi32>
        %rev3A_366 = tpu.iota {dimensions = array<i32: 0>} : vector<16xi32>
        %rev3A_367 = arith.subi %rev3A_365, %rev3A_366 : vector<16xi32>
        %rev3A_368 = tpu.dynamic_gather %get3A_363[%rev3A_367] in [0] : vector<16xf32>, vector<16xi32> -> vector<16xf32>
        %swap3A_369 = arith.constant 1 : i32
        %swap3A_370 = arith.index_cast %scan3A_113 : i32 to index
        %swap3A_371 = arith.index_cast %swap3A_369 : i32 to index
        %swap3A_372 = arith.constant 105 : index
        %swap3A_373 = tpu.vector_load %arg11[%swap3A_370, %swap3A_371, %swap3A_372] {strides = array<i32>} : memref<121x2x121xf32, #tpu.memory_space<vmem>>, vector<16xf32>,
        tpu.vector_store %arg11[%swap3A_370, %swap3A_371, %swap3A_372], %rev3A_368 {strides = array<i32>} : memref<121x2x121xf32, #tpu.memory_space<vmem>>, vector<16xf32>,
      }
      %scan3A_103 = arith.constant 121 : i32
      %dma_start3A = arith.constant 0 : i32
      %dma_start3A_104 = arith.constant 0 : i32
      %dma_start3A_105 = arith.constant 0 : i32
      %dma_start3A_106 = tpu.memref_slice %arg6[%div3A_84, %rem3A_86, %dma_start3A, %dma_start3A_104, %dma_start3A_105] : memref<16x17x121x2x121xf32, #tpu.memory_space<hbm>> -> memref<1x1x121x2x121xf32, #tpu.memory_space<hbm>>
      %dma_start3A_107 = tpu.memref_squeeze %dma_start3A_106 : memref<1x1x121x2x121xf32, #tpu.memory_space<hbm>> -> memref<121x2x121xf32, #tpu.memory_space<hbm>>
      %dma_start3A_108 = arith.constant 0 : i32
      %dma_start3A_109 = arith.constant 0 : i32
      %dma_start3A_110 = arith.constant 0 : i32
      %dma_start3A_111 = tpu.memref_slice %arg6[%div3A_84, %rem3A_86, %dma_start3A_108, %dma_start3A_109, %dma_start3A_110] : memref<16x17x121x2x121xf32, #tpu.memory_space<hbm>> -> memref<1x1x121x2x121xf32, #tpu.memory_space<hbm>>
      %dma_start3A_112 = tpu.memref_squeeze %dma_start3A_111 : memref<1x1x121x2x121xf32, #tpu.memory_space<hbm>> -> memref<121x2x121xf32, #tpu.memory_space<hbm>>
      tpu.enqueue_dma source(%arg11 : memref<121x2x121xf32, #tpu.memory_space<vmem>>) target(%dma_start3A_112 : memref<121x2x121xf32, #tpu.memory_space<hbm>>) target_semaphore(%arg12 : memref<!tpu.dma_semaphore, #tpu.memory_space<semaphore_mem>>)
    }
    %while3A_73 = arith.constant 1 : i32
    scf.for %while3A_79 = %while3A_71 to %while3A_67 step %while3A_73  : i32 {
      %mul3A_80 = arith.constant 32 : i32
      %mul3A_81 = arith.muli %mul3A_80, %while3A_79 : i32
      %add3A_82 = arith.addi %add3A, %mul3A_81 : i32
      %div3A_83 = arith.constant 17 : i32
      %div3A_84 = arith.divsi %add3A_82, %div3A_83 : i32
      %rem3A_85 = arith.constant 17 : i32
      %rem3A_86 = arith.remsi %add3A_82, %rem3A_85 : i32
      %broadcast_in_dim3A = vector.broadcast %rem3A_86 : i32 to vector<16xi32>
      %gather3A = tpu.vector_load_idx %arg7[%broadcast_in_dim3A] : memref<17xi32, #tpu.memory_space<vmem>>[vector<16xi32>], vector<16xi32>,
      %reduce_max3A = arith.constant true
      %reduce_max3A_87 = vector.broadcast %reduce_max3A : i1 to vector<16xi1>
      %reduce_max3A_88 = arith.constant -2147483648 : i32
      %reduce_max3A_89 = vector.broadcast %reduce_max3A_88 : i32 to vector<16xi32>
      %reduce_max3A_90 = arith.xori %gather3A, %reduce_max3A_89 : vector<16xi32>
      %reduce_max3A_91 = tpu.scan <max>, %reduce_max3A_90 masked %reduce_max3A_87 : vector<16xi32>, vector<16xi1> -> vector<16xi32>
      %reduce_max3A_92 = arith.xori %reduce_max3A_91, %reduce_max3A_89 : vector<16xi32>
      %reduce_max3A_93 = vector.extract %reduce_max3A_92[15] : i32 from vector<16xi32>
      "tpu.region"() ({
        %run_scoped3A = tpu.sem_alloc : memref<!tpu.dma_semaphore, #tpu.memory_space<semaphore_mem>>
        %dma_start3A_113 = arith.constant 0 : i32
        %dma_start3A_114 = arith.constant 0 : i32
        %dma_start3A_115 = arith.constant 0 : i32
        %dma_start3A_116 = tpu.memref_slice %arg3[%div3A_84, %reduce_max3A_93, %dma_start3A_113, %dma_start3A_114, %dma_start3A_115] : memref<16x17x121x2x121xf32, #tpu.memory_space<hbm>> -> memref<1x1x121x2x121xf32, #tpu.memory_space<hbm>>
        %dma_start3A_117 = tpu.memref_squeeze %dma_start3A_116 : memref<1x1x121x2x121xf32, #tpu.memory_space<hbm>> -> memref<121x2x121xf32, #tpu.memory_space<hbm>>
        %dma_start3A_118 = arith.constant 0 : i32
        %dma_start3A_119 = arith.constant 0 : i32
        %dma_start3A_120 = arith.constant 0 : i32
        %dma_start3A_121 = tpu.memref_slice %arg3[%div3A_84, %reduce_max3A_93, %dma_start3A_118, %dma_start3A_119, %dma_start3A_120] : memref<16x17x121x2x121xf32, #tpu.memory_space<hbm>> -> memref<1x1x121x2x121xf32, #tpu.memory_space<hbm>>
        %dma_start3A_122 = tpu.memref_squeeze %dma_start3A_121 : memref<1x1x121x2x121xf32, #tpu.memory_space<hbm>> -> memref<121x2x121xf32, #tpu.memory_space<hbm>>
        tpu.enqueue_dma source(%dma_start3A_122 : memref<121x2x121xf32, #tpu.memory_space<hbm>>) target(%arg10 : memref<121x2x121xf32, #tpu.memory_space<vmem>>) target_semaphore(%run_scoped3A : memref<!tpu.dma_semaphore, #tpu.memory_space<semaphore_mem>>)
        %dma_wait3A = arith.constant 0 : i32
        %dma_wait3A_123 = arith.constant 0 : i32
        %dma_wait3A_124 = arith.constant 0 : i32
        %dma_wait3A_125 = tpu.memref_slice %arg3[%div3A_84, %reduce_max3A_93, %dma_wait3A, %dma_wait3A_123, %dma_wait3A_124] : memref<16x17x121x2x121xf32, #tpu.memory_space<hbm>> -> memref<1x1x121x2x121xf32, #tpu.memory_space<hbm>>
        %dma_wait3A_126 = tpu.memref_squeeze %dma_wait3A_125 : memref<1x1x121x2x121xf32, #tpu.memory_space<hbm>> -> memref<121x2x121xf32, #tpu.memory_space<hbm>>
        %dma_wait3A_127 = arith.constant 0 : i32
        %dma_wait3A_128 = arith.constant 0 : i32
        %dma_wait3A_129 = arith.constant 0 : i32
        %dma_wait3A_130 = tpu.memref_slice %arg3[%div3A_84, %reduce_max3A_93, %dma_wait3A_127, %dma_wait3A_128, %dma_wait3A_129] : memref<16x17x121x2x121xf32, #tpu.memory_space<hbm>> -> memref<1x1x121x2x121xf32, #tpu.memory_space<hbm>>
        %dma_wait3A_131 = tpu.memref_squeeze %dma_wait3A_130 : memref<1x1x121x2x121xf32, #tpu.memory_space<hbm>> -> memref<121x2x121xf32, #tpu.memory_space<hbm>>
        tpu.wait_dma2 semaphore(%run_scoped3A : memref<!tpu.dma_semaphore, #tpu.memory_space<semaphore_mem>>) src(%dma_wait3A_131 : memref<121x2x121xf32, #tpu.memory_space<hbm>>) dst(%arg10 : memref<121x2x121xf32, #tpu.memory_space<vmem>>)
        tpu.yield
      }) : () -> ()
      %gt3A_94 = arith.constant 0 : i32
      %gt3A_95 = arith.cmpi sgt, %while3A_79, %gt3A_94 : i32
      %convert_element_type3A_96 = arith.extui %gt3A_95 : i1 to i32
      %cond3A_97 = arith.constant 0 : i32
      %cond3A_98 = arith.cmpi ne, %convert_element_type3A_96, %cond3A_97 : i32
      scf.if %cond3A_98 {
        %dma_wait3A = arith.constant 0 : i32
        %dma_wait3A_113 = arith.constant 0 : i32
        %dma_wait3A_114 = arith.constant 0 : i32
        %dma_wait3A_115 = tpu.memref_slice %arg6[%div3A_84, %rem3A_86, %dma_wait3A, %dma_wait3A_113, %dma_wait3A_114] : memref<16x17x121x2x121xf32, #tpu.memory_space<hbm>> -> memref<1x1x121x2x121xf32, #tpu.memory_space<hbm>>
        %dma_wait3A_116 = tpu.memref_squeeze %dma_wait3A_115 : memref<1x1x121x2x121xf32, #tpu.memory_space<hbm>> -> memref<121x2x121xf32, #tpu.memory_space<hbm>>
        %dma_wait3A_117 = arith.constant 0 : i32
        %dma_wait3A_118 = arith.constant 0 : i32
        %dma_wait3A_119 = arith.constant 0 : i32
        %dma_wait3A_120 = tpu.memref_slice %arg6[%div3A_84, %rem3A_86, %dma_wait3A_117, %dma_wait3A_118, %dma_wait3A_119] : memref<16x17x121x2x121xf32, #tpu.memory_space<hbm>> -> memref<1x1x121x2x121xf32, #tpu.memory_space<hbm>>
        %dma_wait3A_121 = tpu.memref_squeeze %dma_wait3A_120 : memref<1x1x121x2x121xf32, #tpu.memory_space<hbm>> -> memref<121x2x121xf32, #tpu.memory_space<hbm>>
        tpu.wait_dma2 semaphore(%arg12 : memref<!tpu.dma_semaphore, #tpu.memory_space<semaphore_mem>>) src(%arg11 : memref<121x2x121xf32, #tpu.memory_space<vmem>>) dst(%dma_wait3A_121 : memref<121x2x121xf32, #tpu.memory_space<hbm>>)
      } else {
      }
      %scan3A = arith.constant 0 : i32
      %scan3A_99 = arith.constant 0 : i32
      %scan3A_100 = arith.constant 121 : i32
      %scan3A_101 = arith.addi %scan3A_99, %scan3A_100 : i32
      %scan3A_102 = arith.constant 1 : i32
      scf.for %scan3A_113 = %scan3A_99 to %scan3A_101 step %scan3A_102  : i32 {
        %get3A = arith.constant 0 : i32
        %get3A_114 = arith.index_cast %scan3A_113 : i32 to index
        %get3A_115 = arith.index_cast %get3A : i32 to index
        %get3A_116 = arith.constant 105 : index
        %get3A_117 = tpu.vector_load %arg10[%get3A_114, %get3A_115, %get3A_116] {strides = array<i32>} : memref<121x2x121xf32, #tpu.memory_space<vmem>>, vector<16xf32>,
        %rev3A = arith.constant 15 : i32
        %rev3A_118 = vector.broadcast %rev3A : i32 to vector<16xi32>
        %rev3A_119 = tpu.iota {dimensions = array<i32: 0>} : vector<16xi32>
        %rev3A_120 = arith.subi %rev3A_118, %rev3A_119 : vector<16xi32>
        %rev3A_121 = tpu.dynamic_gather %get3A_117[%rev3A_120] in [0] : vector<16xf32>, vector<16xi32> -> vector<16xf32>
        %neg3A = arith.constant 0.000000e+00 : f32
        %neg3A_122 = vector.broadcast %neg3A : f32 to vector<16xf32>
        %neg3A_123 = arith.subf %neg3A_122, %rev3A_121 : vector<16xf32>
        %swap3A = arith.constant 0 : i32
        %swap3A_124 = arith.index_cast %scan3A_113 : i32 to index
        %swap3A_125 = arith.index_cast %swap3A : i32 to index
        %swap3A_126 = arith.constant 0 : index
        %swap3A_127 = tpu.vector_load %arg11[%swap3A_124, %swap3A_125, %swap3A_126] {strides = array<i32>} : memref<121x2x121xf32, #tpu.memory_space<vmem>>, vector<16xf32>,
        tpu.vector_store %arg11[%swap3A_124, %swap3A_125, %swap3A_126], %neg3A_123 {strides = array<i32>} : memref<121x2x121xf32, #tpu.memory_space<vmem>>, vector<16xf32>,
        %get3A_128 = arith.constant 0 : i32
        %get3A_129 = arith.index_cast %scan3A_113 : i32 to index
        %get3A_130 = arith.index_cast %get3A_128 : i32 to index
        %get3A_131 = arith.constant 89 : index
        %get3A_132 = tpu.vector_load %arg10[%get3A_129, %get3A_130, %get3A_131] {strides = array<i32>} : memref<121x2x121xf32, #tpu.memory_space<vmem>>, vector<16xf32>,
        %rev3A_133 = arith.constant 15 : i32
        %rev3A_134 = vector.broadcast %rev3A_133 : i32 to vector<16xi32>
        %rev3A_135 = tpu.iota {dimensions = array<i32: 0>} : vector<16xi32>
        %rev3A_136 = arith.subi %rev3A_134, %rev3A_135 : vector<16xi32>
        %rev3A_137 = tpu.dynamic_gather %get3A_132[%rev3A_136] in [0] : vector<16xf32>, vector<16xi32> -> vector<16xf32>
        %neg3A_138 = arith.constant 0.000000e+00 : f32
        %neg3A_139 = vector.broadcast %neg3A_138 : f32 to vector<16xf32>
        %neg3A_140 = arith.subf %neg3A_139, %rev3A_137 : vector<16xf32>
        %swap3A_141 = arith.constant 0 : i32
        %swap3A_142 = arith.index_cast %scan3A_113 : i32 to index
        %swap3A_143 = arith.index_cast %swap3A_141 : i32 to index
        %swap3A_144 = arith.constant 16 : index
        %swap3A_145 = tpu.vector_load %arg11[%swap3A_142, %swap3A_143, %swap3A_144] {strides = array<i32>} : memref<121x2x121xf32, #tpu.memory_space<vmem>>, vector<16xf32>,
        tpu.vector_store %arg11[%swap3A_142, %swap3A_143, %swap3A_144], %neg3A_140 {strides = array<i32>} : memref<121x2x121xf32, #tpu.memory_space<vmem>>, vector<16xf32>,
        %get3A_146 = arith.constant 0 : i32
        %get3A_147 = arith.index_cast %scan3A_113 : i32 to index
        %get3A_148 = arith.index_cast %get3A_146 : i32 to index
        %get3A_149 = arith.constant 73 : index
        %get3A_150 = tpu.vector_load %arg10[%get3A_147, %get3A_148, %get3A_149] {strides = array<i32>} : memref<121x2x121xf32, #tpu.memory_space<vmem>>, vector<16xf32>,
        %rev3A_151 = arith.constant 15 : i32
        %rev3A_152 = vector.broadcast %rev3A_151 : i32 to vector<16xi32>
        %rev3A_153 = tpu.iota {dimensions = array<i32: 0>} : vector<16xi32>
        %rev3A_154 = arith.subi %rev3A_152, %rev3A_153 : vector<16xi32>
        %rev3A_155 = tpu.dynamic_gather %get3A_150[%rev3A_154] in [0] : vector<16xf32>, vector<16xi32> -> vector<16xf32>
        %neg3A_156 = arith.constant 0.000000e+00 : f32
        %neg3A_157 = vector.broadcast %neg3A_156 : f32 to vector<16xf32>
        %neg3A_158 = arith.subf %neg3A_157, %rev3A_155 : vector<16xf32>
        %swap3A_159 = arith.constant 0 : i32
        %swap3A_160 = arith.index_cast %scan3A_113 : i32 to index
        %swap3A_161 = arith.index_cast %swap3A_159 : i32 to index
        %swap3A_162 = arith.constant 32 : index
        %swap3A_163 = tpu.vector_load %arg11[%swap3A_160, %swap3A_161, %swap3A_162] {strides = array<i32>} : memref<121x2x121xf32, #tpu.memory_space<vmem>>, vector<16xf32>,
        tpu.vector_store %arg11[%swap3A_160, %swap3A_161, %swap3A_162], %neg3A_158 {strides = array<i32>} : memref<121x2x121xf32, #tpu.memory_space<vmem>>, vector<16xf32>,
        %get3A_164 = arith.constant 0 : i32
        %get3A_165 = arith.index_cast %scan3A_113 : i32 to index
        %get3A_166 = arith.index_cast %get3A_164 : i32 to index
        %get3A_167 = arith.constant 57 : index
        %get3A_168 = tpu.vector_load %arg10[%get3A_165, %get3A_166, %get3A_167] {strides = array<i32>} : memref<121x2x121xf32, #tpu.memory_space<vmem>>, vector<16xf32>,
        %rev3A_169 = arith.constant 15 : i32
        %rev3A_170 = vector.broadcast %rev3A_169 : i32 to vector<16xi32>
        %rev3A_171 = tpu.iota {dimensions = array<i32: 0>} : vector<16xi32>
        %rev3A_172 = arith.subi %rev3A_170, %rev3A_171 : vector<16xi32>
        %rev3A_173 = tpu.dynamic_gather %get3A_168[%rev3A_172] in [0] : vector<16xf32>, vector<16xi32> -> vector<16xf32>
        %neg3A_174 = arith.constant 0.000000e+00 : f32
        %neg3A_175 = vector.broadcast %neg3A_174 : f32 to vector<16xf32>
        %neg3A_176 = arith.subf %neg3A_175, %rev3A_173 : vector<16xf32>
        %swap3A_177 = arith.constant 0 : i32
        %swap3A_178 = arith.index_cast %scan3A_113 : i32 to index
        %swap3A_179 = arith.index_cast %swap3A_177 : i32 to index
        %swap3A_180 = arith.constant 48 : index
        %swap3A_181 = tpu.vector_load %arg11[%swap3A_178, %swap3A_179, %swap3A_180] {strides = array<i32>} : memref<121x2x121xf32, #tpu.memory_space<vmem>>, vector<16xf32>,
        tpu.vector_store %arg11[%swap3A_178, %swap3A_179, %swap3A_180], %neg3A_176 {strides = array<i32>} : memref<121x2x121xf32, #tpu.memory_space<vmem>>, vector<16xf32>,
        %get3A_182 = arith.constant 0 : i32
        %get3A_183 = arith.index_cast %scan3A_113 : i32 to index
        %get3A_184 = arith.index_cast %get3A_182 : i32 to index
        %get3A_185 = arith.constant 41 : index
        %get3A_186 = tpu.vector_load %arg10[%get3A_183, %get3A_184, %get3A_185] {strides = array<i32>} : memref<121x2x121xf32, #tpu.memory_space<vmem>>, vector<16xf32>,
        %rev3A_187 = arith.constant 15 : i32
        %rev3A_188 = vector.broadcast %rev3A_187 : i32 to vector<16xi32>
        %rev3A_189 = tpu.iota {dimensions = array<i32: 0>} : vector<16xi32>
        %rev3A_190 = arith.subi %rev3A_188, %rev3A_189 : vector<16xi32>
        %rev3A_191 = tpu.dynamic_gather %get3A_186[%rev3A_190] in [0] : vector<16xf32>, vector<16xi32> -> vector<16xf32>
        %neg3A_192 = arith.constant 0.000000e+00 : f32
        %neg3A_193 = vector.broadcast %neg3A_192 : f32 to vector<16xf32>
        %neg3A_194 = arith.subf %neg3A_193, %rev3A_191 : vector<16xf32>
        %swap3A_195 = arith.constant 0 : i32
        %swap3A_196 = arith.index_cast %scan3A_113 : i32 to index
        %swap3A_197 = arith.index_cast %swap3A_195 : i32 to index
        %swap3A_198 = arith.constant 64 : index
        %swap3A_199 = tpu.vector_load %arg11[%swap3A_196, %swap3A_197, %swap3A_198] {strides = array<i32>} : memref<121x2x121xf32, #tpu.memory_space<vmem>>, vector<16xf32>,
        tpu.vector_store %arg11[%swap3A_196, %swap3A_197, %swap3A_198], %neg3A_194 {strides = array<i32>} : memref<121x2x121xf32, #tpu.memory_space<vmem>>, vector<16xf32>,
        %get3A_200 = arith.constant 0 : i32
        %get3A_201 = arith.index_cast %scan3A_113 : i32 to index
        %get3A_202 = arith.index_cast %get3A_200 : i32 to index
        %get3A_203 = arith.constant 25 : index
        %get3A_204 = tpu.vector_load %arg10[%get3A_201, %get3A_202, %get3A_203] {strides = array<i32>} : memref<121x2x121xf32, #tpu.memory_space<vmem>>, vector<16xf32>,
        %rev3A_205 = arith.constant 15 : i32
        %rev3A_206 = vector.broadcast %rev3A_205 : i32 to vector<16xi32>
        %rev3A_207 = tpu.iota {dimensions = array<i32: 0>} : vector<16xi32>
        %rev3A_208 = arith.subi %rev3A_206, %rev3A_207 : vector<16xi32>
        %rev3A_209 = tpu.dynamic_gather %get3A_204[%rev3A_208] in [0] : vector<16xf32>, vector<16xi32> -> vector<16xf32>
        %neg3A_210 = arith.constant 0.000000e+00 : f32
        %neg3A_211 = vector.broadcast %neg3A_210 : f32 to vector<16xf32>
        %neg3A_212 = arith.subf %neg3A_211, %rev3A_209 : vector<16xf32>
        %swap3A_213 = arith.constant 0 : i32
        %swap3A_214 = arith.index_cast %scan3A_113 : i32 to index
        %swap3A_215 = arith.index_cast %swap3A_213 : i32 to index
        %swap3A_216 = arith.constant 80 : index
        %swap3A_217 = tpu.vector_load %arg11[%swap3A_214, %swap3A_215, %swap3A_216] {strides = array<i32>} : memref<121x2x121xf32, #tpu.memory_space<vmem>>, vector<16xf32>,
        tpu.vector_store %arg11[%swap3A_214, %swap3A_215, %swap3A_216], %neg3A_212 {strides = array<i32>} : memref<121x2x121xf32, #tpu.memory_space<vmem>>, vector<16xf32>,
        %get3A_218 = arith.constant 0 : i32
        %get3A_219 = arith.index_cast %scan3A_113 : i32 to index
        %get3A_220 = arith.index_cast %get3A_218 : i32 to index
        %get3A_221 = arith.constant 9 : index
        %get3A_222 = tpu.vector_load %arg10[%get3A_219, %get3A_220, %get3A_221] {strides = array<i32>} : memref<121x2x121xf32, #tpu.memory_space<vmem>>, vector<16xf32>,
        %rev3A_223 = arith.constant 15 : i32
        %rev3A_224 = vector.broadcast %rev3A_223 : i32 to vector<16xi32>
        %rev3A_225 = tpu.iota {dimensions = array<i32: 0>} : vector<16xi32>
        %rev3A_226 = arith.subi %rev3A_224, %rev3A_225 : vector<16xi32>
        %rev3A_227 = tpu.dynamic_gather %get3A_222[%rev3A_226] in [0] : vector<16xf32>, vector<16xi32> -> vector<16xf32>
        %neg3A_228 = arith.constant 0.000000e+00 : f32
        %neg3A_229 = vector.broadcast %neg3A_228 : f32 to vector<16xf32>
        %neg3A_230 = arith.subf %neg3A_229, %rev3A_227 : vector<16xf32>
        %swap3A_231 = arith.constant 0 : i32
        %swap3A_232 = arith.index_cast %scan3A_113 : i32 to index
        %swap3A_233 = arith.index_cast %swap3A_231 : i32 to index
        %swap3A_234 = arith.constant 96 : index
        %swap3A_235 = tpu.vector_load %arg11[%swap3A_232, %swap3A_233, %swap3A_234] {strides = array<i32>} : memref<121x2x121xf32, #tpu.memory_space<vmem>>, vector<16xf32>,
        tpu.vector_store %arg11[%swap3A_232, %swap3A_233, %swap3A_234], %neg3A_230 {strides = array<i32>} : memref<121x2x121xf32, #tpu.memory_space<vmem>>, vector<16xf32>,
        %get3A_236 = arith.constant 0 : i32
        %get3A_237 = arith.index_cast %scan3A_113 : i32 to index
        %get3A_238 = arith.index_cast %get3A_236 : i32 to index
        %get3A_239 = arith.constant 0 : index
        %get3A_240 = tpu.vector_load %arg10[%get3A_237, %get3A_238, %get3A_239] {strides = array<i32>} : memref<121x2x121xf32, #tpu.memory_space<vmem>>, vector<16xf32>,
        %rev3A_241 = arith.constant 15 : i32
        %rev3A_242 = vector.broadcast %rev3A_241 : i32 to vector<16xi32>
        %rev3A_243 = tpu.iota {dimensions = array<i32: 0>} : vector<16xi32>
        %rev3A_244 = arith.subi %rev3A_242, %rev3A_243 : vector<16xi32>
        %rev3A_245 = tpu.dynamic_gather %get3A_240[%rev3A_244] in [0] : vector<16xf32>, vector<16xi32> -> vector<16xf32>
        %neg3A_246 = arith.constant 0.000000e+00 : f32
        %neg3A_247 = vector.broadcast %neg3A_246 : f32 to vector<16xf32>
        %neg3A_248 = arith.subf %neg3A_247, %rev3A_245 : vector<16xf32>
        %swap3A_249 = arith.constant 0 : i32
        %swap3A_250 = arith.index_cast %scan3A_113 : i32 to index
        %swap3A_251 = arith.index_cast %swap3A_249 : i32 to index
        %swap3A_252 = arith.constant 105 : index
        %swap3A_253 = tpu.vector_load %arg11[%swap3A_250, %swap3A_251, %swap3A_252] {strides = array<i32>} : memref<121x2x121xf32, #tpu.memory_space<vmem>>, vector<16xf32>,
        tpu.vector_store %arg11[%swap3A_250, %swap3A_251, %swap3A_252], %neg3A_248 {strides = array<i32>} : memref<121x2x121xf32, #tpu.memory_space<vmem>>, vector<16xf32>,
        %get3A_254 = arith.constant 1 : i32
        %get3A_255 = arith.index_cast %scan3A_113 : i32 to index
        %get3A_256 = arith.index_cast %get3A_254 : i32 to index
        %get3A_257 = arith.constant 105 : index
        %get3A_258 = tpu.vector_load %arg10[%get3A_255, %get3A_256, %get3A_257] {strides = array<i32>} : memref<121x2x121xf32, #tpu.memory_space<vmem>>, vector<16xf32>,
        %rev3A_259 = arith.constant 15 : i32
        %rev3A_260 = vector.broadcast %rev3A_259 : i32 to vector<16xi32>
        %rev3A_261 = tpu.iota {dimensions = array<i32: 0>} : vector<16xi32>
        %rev3A_262 = arith.subi %rev3A_260, %rev3A_261 : vector<16xi32>
        %rev3A_263 = tpu.dynamic_gather %get3A_258[%rev3A_262] in [0] : vector<16xf32>, vector<16xi32> -> vector<16xf32>
        %swap3A_264 = arith.constant 1 : i32
        %swap3A_265 = arith.index_cast %scan3A_113 : i32 to index
        %swap3A_266 = arith.index_cast %swap3A_264 : i32 to index
        %swap3A_267 = arith.constant 0 : index
        %swap3A_268 = tpu.vector_load %arg11[%swap3A_265, %swap3A_266, %swap3A_267] {strides = array<i32>} : memref<121x2x121xf32, #tpu.memory_space<vmem>>, vector<16xf32>,
        tpu.vector_store %arg11[%swap3A_265, %swap3A_266, %swap3A_267], %rev3A_263 {strides = array<i32>} : memref<121x2x121xf32, #tpu.memory_space<vmem>>, vector<16xf32>,
        %get3A_269 = arith.constant 1 : i32
        %get3A_270 = arith.index_cast %scan3A_113 : i32 to index
        %get3A_271 = arith.index_cast %get3A_269 : i32 to index
        %get3A_272 = arith.constant 89 : index
        %get3A_273 = tpu.vector_load %arg10[%get3A_270, %get3A_271, %get3A_272] {strides = array<i32>} : memref<121x2x121xf32, #tpu.memory_space<vmem>>, vector<16xf32>,
        %rev3A_274 = arith.constant 15 : i32
        %rev3A_275 = vector.broadcast %rev3A_274 : i32 to vector<16xi32>
        %rev3A_276 = tpu.iota {dimensions = array<i32: 0>} : vector<16xi32>
        %rev3A_277 = arith.subi %rev3A_275, %rev3A_276 : vector<16xi32>
        %rev3A_278 = tpu.dynamic_gather %get3A_273[%rev3A_277] in [0] : vector<16xf32>, vector<16xi32> -> vector<16xf32>
        %swap3A_279 = arith.constant 1 : i32
        %swap3A_280 = arith.index_cast %scan3A_113 : i32 to index
        %swap3A_281 = arith.index_cast %swap3A_279 : i32 to index
        %swap3A_282 = arith.constant 16 : index
        %swap3A_283 = tpu.vector_load %arg11[%swap3A_280, %swap3A_281, %swap3A_282] {strides = array<i32>} : memref<121x2x121xf32, #tpu.memory_space<vmem>>, vector<16xf32>,
        tpu.vector_store %arg11[%swap3A_280, %swap3A_281, %swap3A_282], %rev3A_278 {strides = array<i32>} : memref<121x2x121xf32, #tpu.memory_space<vmem>>, vector<16xf32>,
        %get3A_284 = arith.constant 1 : i32
        %get3A_285 = arith.index_cast %scan3A_113 : i32 to index
        %get3A_286 = arith.index_cast %get3A_284 : i32 to index
        %get3A_287 = arith.constant 73 : index
        %get3A_288 = tpu.vector_load %arg10[%get3A_285, %get3A_286, %get3A_287] {strides = array<i32>} : memref<121x2x121xf32, #tpu.memory_space<vmem>>, vector<16xf32>,
        %rev3A_289 = arith.constant 15 : i32
        %rev3A_290 = vector.broadcast %rev3A_289 : i32 to vector<16xi32>
        %rev3A_291 = tpu.iota {dimensions = array<i32: 0>} : vector<16xi32>
        %rev3A_292 = arith.subi %rev3A_290, %rev3A_291 : vector<16xi32>
        %rev3A_293 = tpu.dynamic_gather %get3A_288[%rev3A_292] in [0] : vector<16xf32>, vector<16xi32> -> vector<16xf32>
        %swap3A_294 = arith.constant 1 : i32
        %swap3A_295 = arith.index_cast %scan3A_113 : i32 to index
        %swap3A_296 = arith.index_cast %swap3A_294 : i32 to index
        %swap3A_297 = arith.constant 32 : index
        %swap3A_298 = tpu.vector_load %arg11[%swap3A_295, %swap3A_296, %swap3A_297] {strides = array<i32>} : memref<121x2x121xf32, #tpu.memory_space<vmem>>, vector<16xf32>,
        tpu.vector_store %arg11[%swap3A_295, %swap3A_296, %swap3A_297], %rev3A_293 {strides = array<i32>} : memref<121x2x121xf32, #tpu.memory_space<vmem>>, vector<16xf32>,
        %get3A_299 = arith.constant 1 : i32
        %get3A_300 = arith.index_cast %scan3A_113 : i32 to index
        %get3A_301 = arith.index_cast %get3A_299 : i32 to index
        %get3A_302 = arith.constant 57 : index
        %get3A_303 = tpu.vector_load %arg10[%get3A_300, %get3A_301, %get3A_302] {strides = array<i32>} : memref<121x2x121xf32, #tpu.memory_space<vmem>>, vector<16xf32>,
        %rev3A_304 = arith.constant 15 : i32
        %rev3A_305 = vector.broadcast %rev3A_304 : i32 to vector<16xi32>
        %rev3A_306 = tpu.iota {dimensions = array<i32: 0>} : vector<16xi32>
        %rev3A_307 = arith.subi %rev3A_305, %rev3A_306 : vector<16xi32>
        %rev3A_308 = tpu.dynamic_gather %get3A_303[%rev3A_307] in [0] : vector<16xf32>, vector<16xi32> -> vector<16xf32>
        %swap3A_309 = arith.constant 1 : i32
        %swap3A_310 = arith.index_cast %scan3A_113 : i32 to index
        %swap3A_311 = arith.index_cast %swap3A_309 : i32 to index
        %swap3A_312 = arith.constant 48 : index
        %swap3A_313 = tpu.vector_load %arg11[%swap3A_310, %swap3A_311, %swap3A_312] {strides = array<i32>} : memref<121x2x121xf32, #tpu.memory_space<vmem>>, vector<16xf32>,
        tpu.vector_store %arg11[%swap3A_310, %swap3A_311, %swap3A_312], %rev3A_308 {strides = array<i32>} : memref<121x2x121xf32, #tpu.memory_space<vmem>>, vector<16xf32>,
        %get3A_314 = arith.constant 1 : i32
        %get3A_315 = arith.index_cast %scan3A_113 : i32 to index
        %get3A_316 = arith.index_cast %get3A_314 : i32 to index
        %get3A_317 = arith.constant 41 : index
        %get3A_318 = tpu.vector_load %arg10[%get3A_315, %get3A_316, %get3A_317] {strides = array<i32>} : memref<121x2x121xf32, #tpu.memory_space<vmem>>, vector<16xf32>,
        %rev3A_319 = arith.constant 15 : i32
        %rev3A_320 = vector.broadcast %rev3A_319 : i32 to vector<16xi32>
        %rev3A_321 = tpu.iota {dimensions = array<i32: 0>} : vector<16xi32>
        %rev3A_322 = arith.subi %rev3A_320, %rev3A_321 : vector<16xi32>
        %rev3A_323 = tpu.dynamic_gather %get3A_318[%rev3A_322] in [0] : vector<16xf32>, vector<16xi32> -> vector<16xf32>
        %swap3A_324 = arith.constant 1 : i32
        %swap3A_325 = arith.index_cast %scan3A_113 : i32 to index
        %swap3A_326 = arith.index_cast %swap3A_324 : i32 to index
        %swap3A_327 = arith.constant 64 : index
        %swap3A_328 = tpu.vector_load %arg11[%swap3A_325, %swap3A_326, %swap3A_327] {strides = array<i32>} : memref<121x2x121xf32, #tpu.memory_space<vmem>>, vector<16xf32>,
        tpu.vector_store %arg11[%swap3A_325, %swap3A_326, %swap3A_327], %rev3A_323 {strides = array<i32>} : memref<121x2x121xf32, #tpu.memory_space<vmem>>, vector<16xf32>,
        %get3A_329 = arith.constant 1 : i32
        %get3A_330 = arith.index_cast %scan3A_113 : i32 to index
        %get3A_331 = arith.index_cast %get3A_329 : i32 to index
        %get3A_332 = arith.constant 25 : index
        %get3A_333 = tpu.vector_load %arg10[%get3A_330, %get3A_331, %get3A_332] {strides = array<i32>} : memref<121x2x121xf32, #tpu.memory_space<vmem>>, vector<16xf32>,
        %rev3A_334 = arith.constant 15 : i32
        %rev3A_335 = vector.broadcast %rev3A_334 : i32 to vector<16xi32>
        %rev3A_336 = tpu.iota {dimensions = array<i32: 0>} : vector<16xi32>
        %rev3A_337 = arith.subi %rev3A_335, %rev3A_336 : vector<16xi32>
        %rev3A_338 = tpu.dynamic_gather %get3A_333[%rev3A_337] in [0] : vector<16xf32>, vector<16xi32> -> vector<16xf32>
        %swap3A_339 = arith.constant 1 : i32
        %swap3A_340 = arith.index_cast %scan3A_113 : i32 to index
        %swap3A_341 = arith.index_cast %swap3A_339 : i32 to index
        %swap3A_342 = arith.constant 80 : index
        %swap3A_343 = tpu.vector_load %arg11[%swap3A_340, %swap3A_341, %swap3A_342] {strides = array<i32>} : memref<121x2x121xf32, #tpu.memory_space<vmem>>, vector<16xf32>,
        tpu.vector_store %arg11[%swap3A_340, %swap3A_341, %swap3A_342], %rev3A_338 {strides = array<i32>} : memref<121x2x121xf32, #tpu.memory_space<vmem>>, vector<16xf32>,
        %get3A_344 = arith.constant 1 : i32
        %get3A_345 = arith.index_cast %scan3A_113 : i32 to index
        %get3A_346 = arith.index_cast %get3A_344 : i32 to index
        %get3A_347 = arith.constant 9 : index
        %get3A_348 = tpu.vector_load %arg10[%get3A_345, %get3A_346, %get3A_347] {strides = array<i32>} : memref<121x2x121xf32, #tpu.memory_space<vmem>>, vector<16xf32>,
        %rev3A_349 = arith.constant 15 : i32
        %rev3A_350 = vector.broadcast %rev3A_349 : i32 to vector<16xi32>
        %rev3A_351 = tpu.iota {dimensions = array<i32: 0>} : vector<16xi32>
        %rev3A_352 = arith.subi %rev3A_350, %rev3A_351 : vector<16xi32>
        %rev3A_353 = tpu.dynamic_gather %get3A_348[%rev3A_352] in [0] : vector<16xf32>, vector<16xi32> -> vector<16xf32>
        %swap3A_354 = arith.constant 1 : i32
        %swap3A_355 = arith.index_cast %scan3A_113 : i32 to index
        %swap3A_356 = arith.index_cast %swap3A_354 : i32 to index
        %swap3A_357 = arith.constant 96 : index
        %swap3A_358 = tpu.vector_load %arg11[%swap3A_355, %swap3A_356, %swap3A_357] {strides = array<i32>} : memref<121x2x121xf32, #tpu.memory_space<vmem>>, vector<16xf32>,
        tpu.vector_store %arg11[%swap3A_355, %swap3A_356, %swap3A_357], %rev3A_353 {strides = array<i32>} : memref<121x2x121xf32, #tpu.memory_space<vmem>>, vector<16xf32>,
        %get3A_359 = arith.constant 1 : i32
        %get3A_360 = arith.index_cast %scan3A_113 : i32 to index
        %get3A_361 = arith.index_cast %get3A_359 : i32 to index
        %get3A_362 = arith.constant 0 : index
        %get3A_363 = tpu.vector_load %arg10[%get3A_360, %get3A_361, %get3A_362] {strides = array<i32>} : memref<121x2x121xf32, #tpu.memory_space<vmem>>, vector<16xf32>,
        %rev3A_364 = arith.constant 15 : i32
        %rev3A_365 = vector.broadcast %rev3A_364 : i32 to vector<16xi32>
        %rev3A_366 = tpu.iota {dimensions = array<i32: 0>} : vector<16xi32>
        %rev3A_367 = arith.subi %rev3A_365, %rev3A_366 : vector<16xi32>
        %rev3A_368 = tpu.dynamic_gather %get3A_363[%rev3A_367] in [0] : vector<16xf32>, vector<16xi32> -> vector<16xf32>
        %swap3A_369 = arith.constant 1 : i32
        %swap3A_370 = arith.index_cast %scan3A_113 : i32 to index
        %swap3A_371 = arith.index_cast %swap3A_369 : i32 to index
        %swap3A_372 = arith.constant 105 : index
        %swap3A_373 = tpu.vector_load %arg11[%swap3A_370, %swap3A_371, %swap3A_372] {strides = array<i32>} : memref<121x2x121xf32, #tpu.memory_space<vmem>>, vector<16xf32>,
        tpu.vector_store %arg11[%swap3A_370, %swap3A_371, %swap3A_372], %rev3A_368 {strides = array<i32>} : memref<121x2x121xf32, #tpu.memory_space<vmem>>, vector<16xf32>,
      }
      %scan3A_103 = arith.constant 121 : i32
      %dma_start3A = arith.constant 0 : i32
      %dma_start3A_104 = arith.constant 0 : i32
      %dma_start3A_105 = arith.constant 0 : i32
      %dma_start3A_106 = tpu.memref_slice %arg6[%div3A_84, %rem3A_86, %dma_start3A, %dma_start3A_104, %dma_start3A_105] : memref<16x17x121x2x121xf32, #tpu.memory_space<hbm>> -> memref<1x1x121x2x121xf32, #tpu.memory_space<hbm>>
      %dma_start3A_107 = tpu.memref_squeeze %dma_start3A_106 : memref<1x1x121x2x121xf32, #tpu.memory_space<hbm>> -> memref<121x2x121xf32, #tpu.memory_space<hbm>>
      %dma_start3A_108 = arith.constant 0 : i32
      %dma_start3A_109 = arith.constant 0 : i32
      %dma_start3A_110 = arith.constant 0 : i32
      %dma_start3A_111 = tpu.memref_slice %arg6[%div3A_84, %rem3A_86, %dma_start3A_108, %dma_start3A_109, %dma_start3A_110] : memref<16x17x121x2x121xf32, #tpu.memory_space<hbm>> -> memref<1x1x121x2x121xf32, #tpu.memory_space<hbm>>
      %dma_start3A_112 = tpu.memref_squeeze %dma_start3A_111 : memref<1x1x121x2x121xf32, #tpu.memory_space<hbm>> -> memref<121x2x121xf32, #tpu.memory_space<hbm>>
      tpu.enqueue_dma source(%arg11 : memref<121x2x121xf32, #tpu.memory_space<vmem>>) target(%dma_start3A_112 : memref<121x2x121xf32, #tpu.memory_space<hbm>>) target_semaphore(%arg12 : memref<!tpu.dma_semaphore, #tpu.memory_space<semaphore_mem>>)
    }
    %gt3A_74 = arith.constant 0 : i32
    %gt3A_75 = arith.cmpi sgt, %select_n3A_63, %gt3A_74 : i32
    %convert_element_type3A_76 = arith.extui %gt3A_75 : i1 to i32
    %cond3A_77 = arith.constant 0 : i32
    %cond3A_78 = arith.cmpi ne, %convert_element_type3A_76, %cond3A_77 : i32
    scf.if %cond3A_78 {
      %dma_wait3A = arith.constant 0 : i32
      %dma_wait3A_79 = arith.constant 0 : i32
      %dma_wait3A_80 = arith.constant 0 : i32
      %dma_wait3A_81 = arith.constant 0 : i32
      %dma_wait3A_82 = arith.constant 0 : i32
      %dma_wait3A_83 = tpu.memref_slice %arg6[%dma_wait3A, %dma_wait3A_79, %dma_wait3A_80, %dma_wait3A_81, %dma_wait3A_82] : memref<16x17x121x2x121xf32, #tpu.memory_space<hbm>> -> memref<1x1x121x2x121xf32, #tpu.memory_space<hbm>>
      %dma_wait3A_84 = tpu.memref_squeeze %dma_wait3A_83 : memref<1x1x121x2x121xf32, #tpu.memory_space<hbm>> -> memref<121x2x121xf32, #tpu.memory_space<hbm>>
      %dma_wait3A_85 = arith.constant 0 : i32
      %dma_wait3A_86 = arith.constant 0 : i32
      %dma_wait3A_87 = arith.constant 0 : i32
      %dma_wait3A_88 = tpu.memref_slice %arg6[%dma_wait3A, %dma_wait3A_79, %dma_wait3A_85, %dma_wait3A_86, %dma_wait3A_87] : memref<16x17x121x2x121xf32, #tpu.memory_space<hbm>> -> memref<1x1x121x2x121xf32, #tpu.memory_space<hbm>>
      %dma_wait3A_89 = tpu.memref_squeeze %dma_wait3A_88 : memref<1x1x121x2x121xf32, #tpu.memory_space<hbm>> -> memref<121x2x121xf32, #tpu.memory_space<hbm>>
      tpu.wait_dma2 semaphore(%arg12 : memref<!tpu.dma_semaphore, #tpu.memory_space<semaphore_mem>>) src(%arg11 : memref<121x2x121xf32, #tpu.memory_space<vmem>>) dst(%dma_wait3A_89 : memref<121x2x121xf32, #tpu.memory_space<hbm>>)
    } else {
    }
    return
  }
}

</mosaic_0001>

<sc_bundles>
// kernel: kernel.3.cloned.1.call-start
scs
__scs_entry_jumppad:
0x0: {  	(pc) =	sbr.rel $0x88, $3  }
0x1: {  	(tag) =	ssettag $0x0;
	lr =	simm.s32 $0x1  }
0x2: {  	[smem:$0x3F9E] =	sst lr;
	_ =	strace $0xD0000000  }
0x3: {  	_ = 	snop  }
0x4: {  	_ = 	snop  }
0x5: {  	_ = 	snop  }
0x6: {  	_ = 	snop  }
0x7: {  	_ = 	snop  }
__scs_overlays_trampoline_lowered:
0x8: {  	[smem:$0x3FAD] =	sst s0  }
0x9: {  	[smem:$0x3FAE] =	sst s1  }
0xa: {  	[smem:$0x3FAF] =	sst s2  }
0xb: {  	[smem:$0x3FB0] =	sst s3  }
0xc: {  	[smem:$0x3FB1] =	sst s4  }
0xd: {  	[smem:$0x3FB2] =	sst s5  }
0xe: {  	[smem:$0x3FB3] =	sst s6  }
0xf: {  	[smem:$0x3FB4] =	sst s7  }
0x10: {  	[smem:$0x3FB5] =	sst s8  }
0x11: {  	[smem:$0x3FB6] =	sst s9;
	s0 =	simm.s32 @!p0 $0x0  }
0x12: {  	s1 =	sld [smem:$0x3F9C];
	s0 =	simm.s32 @p0 $0x1  }
0x13: {  	[smem:$0x3FB7] =	sst s0;
	s0 =	simm.s32 @!p1 $0x0  }
0x14: {  	s2 =	sld [smem:$0x3F9B];
	s0 =	simm.s32 @p1 $0x1  }
0x15: {  	[smem:$0x3FB8] =	sst s0;
	s0 =	simm.s32 @!p2 $0x0  }
0x16: {  	s3 =	sld [smem:$0x3FDB];
	s0 =	simm.s32 @p2 $0x1  }
0x17: {  	s4 =	simm.s32 $0x1BF5;
	[smem:$0x3FBA] =	sst s0  }
0x18: {  	s0 =	sld [smem:$0x3F9D];
	_ =	swait.ge [sflag:s4], $0x0  }
0x19: {  	s7 =	sld [smem:$0x3F9E]  }
0x1a: {  	s8 =	sadd.s32 $0xFFFFE003, lr  }
0x1b: {  	s9 =	sadd.s32 $0xFFFFFEF7, lr;
	s5 =	simm.s32 $0xFFFFFFFF;
	p2 =	slt.u32 s8, $0xFFFFF086  }
0x1c: {  	p1 =	slt.u32 s9, $0xF7A;
	s5 =	simm.s32 @!p2 $0x0  }
0x1d: {  	s5 =	simm.s32 @p1 $0x1;
	p0 =	seq.s32 s7, s2  }
0x1e: {  	s7 =	smul.u32 @!p0 $0xF7A, s2;
	p2 =	seq.s32 @!p0 s5, $0x0  }
0x1f: {  	s9 =	smul.u32 $0xF7A, s1;
	s8 =	simm.s32 @!p0 $0x1BF5;
	p2 =	por !p2, p0  }
0x20: {  	[sflag:s8] =	ssyncset.s32 @!p0 $0xFFFFF086;
	s6 =	sadd.s32 @!p0 s3, s7;
	s7 =	simm.s32 @!p0 $0x108  }
0x21: {  	s3 =	sadd.s32 s3, s9;
	s6 =	sadd.s32 @!p0 $0x88, s6;
	s7 =	simm.s32 @p2 $0x1082  }
0x22: {  	[simem:s7], [sflag:s8] =	dma.local @!p0 [hbm:s6], $0xF7A  }
0x23: {  	s9 =	sor.u32 $0xD0000000, s2;
	s6 =	simm.s32 $0x108;
	_ =	swait.ge @!p0 [sflag:s8], $0x0  }
0x24: {  	s3 =	sadd.s32 $0x88, s3;
	s6 =	simm.s32 @!p1 $0x1082;
	[sflag:s4] =	ssyncset.s32 $0xFFFFF086  }
0x25: {  	[simem:s6], [sflag:s4] =	dma.local [hbm:s3], $0xF7A  }
0x26: {  	[smem:$0x3F9E] =	sst s1;
	(tag) =	ssettag s2;
	_ =	strace s9  }
0x27: {  	s1 =	sld [smem:$0x3FAE]  }
0x28: {  	s2 =	sld [smem:$0x3FAF]  }
0x29: {  	s4 =	sld [smem:$0x3FB1]  }
0x2a: {  	p0 =	seq.s32 s5, $0x0;
	s5 =	sld [smem:$0x3FB2]  }
0x2b: {  	s6 =	sld [smem:$0x3FB3]  }
0x2c: {  	s7 =	sld [smem:$0x3FB4]  }
0x2d: {  	s3 =	simm.s32 $0x108;
	s8 =	sld [smem:$0x3FB5]  }
0x2e: {  	s3 =	simm.s32 @!p0 $0x1082;
	s9 =	sld [smem:$0x3FB6]  }
0x2f: {  	lr =	sadd.s32 s0, s3;
	s0 =	sld [smem:$0x3FAD]  }
0x30: {  	s3 =	sld [smem:$0x3FB0]  }
0x31: {  	[smem:$0x3FB9] =	sst s10  }
0x32: {  	s10 =	sld [smem:$0x3FB7];
	_ =	sdelay $0x3  }
0x33: {  	p0 =	seq.s32 s10, $0x1;
	s10 =	sld [smem:$0x3FB9];
	_ =	sdelay $0x3  }
0x34: {  	[smem:$0x3FB9] =	sst s10  }
0x35: {  	s10 =	sld [smem:$0x3FB8];
	_ =	sdelay $0x3  }
0x36: {  	p1 =	seq.s32 s10, $0x1;
	s10 =	sld [smem:$0x3FB9];
	_ =	sdelay $0x3  }
0x37: {  	[smem:$0x3FB9] =	sst s10  }
0x38: {  	s10 =	sld [smem:$0x3FBA]  }
0x39: {  	_ = 	snop;
	(pc) =	sbr.ind lr, $3  }
0x3a: {  	_ = 	snop  }
0x3b: {  	_ = 	snop  }
0x3c: {  	p2 =	seq.s32 s10, $0x1;
	s10 =	sld [smem:$0x3FB9]  }
0x3d: {  	_ =	shalt  }
0x3e: {  	_ =	shalt  }
0x3f: {  	_ =	shalt  }
0x40: {  	_ =	shalt  }
0x41: {  	_ =	shalt  }
0x42: {  	_ =	shalt  }
0x43: {  	_ =	shalt  }
0x44: {  	_ =	shalt  }
0x45: {  	_ =	shalt  }
0x46: {  	_ =	shalt  }
0x47: {  	_ =	shalt  }
0x48: {  	_ =	shalt  }
0x49: {  	_ =	shalt  }
0x4a: {  	_ =	shalt  }
0x4b: {  	_ =	shalt  }
0x4c: {  	_ =	shalt  }
0x4d: {  	_ =	shalt  }
0x4e: {  	_ =	shalt  }
0x4f: {  	_ =	shalt  }
0x50: {  	_ =	shalt  }
0x51: {  	_ =	shalt  }
0x52: {  	_ =	shalt  }
0x53: {  	_ =	shalt  }
0x54: {  	_ =	shalt  }
0x55: {  	_ =	shalt  }
0x56: {  	_ =	shalt  }
0x57: {  	_ =	shalt  }
0x58: {  	_ =	shalt  }
0x59: {  	_ =	shalt  }
0x5a: {  	_ =	shalt  }
0x5b: {  	_ =	shalt  }
0x5c: {  	_ =	shalt  }
0x5d: {  	_ =	shalt  }
0x5e: {  	_ =	shalt  }
0x5f: {  	_ =	shalt  }
0x60: {  	_ =	shalt  }
0x61: {  	_ =	shalt  }
0x62: {  	_ =	shalt  }
0x63: {  	_ =	shalt  }
0x64: {  	_ =	shalt  }
0x65: {  	_ =	shalt  }
0x66: {  	_ =	shalt  }
0x67: {  	_ =	shalt  }
0x68: {  	_ =	shalt  }
0x69: {  	_ =	shalt  }
0x6a: {  	_ =	shalt  }
0x6b: {  	_ =	shalt  }
0x6c: {  	_ =	shalt  }
0x6d: {  	_ =	shalt  }
0x6e: {  	_ =	shalt  }
0x6f: {  	_ =	shalt  }
0x70: {  	_ =	shalt  }
0x71: {  	_ =	shalt  }
0x72: {  	_ =	shalt  }
0x73: {  	_ =	shalt  }
0x74: {  	_ =	shalt  }
0x75: {  	_ =	shalt  }
0x76: {  	_ =	shalt  }
0x77: {  	_ =	shalt  }
0x78: {  	_ =	shalt  }
0x79: {  	_ =	shalt  }
0x7a: {  	_ =	shalt  }
0x7b: {  	_ =	shalt  }
0x7c: {  	_ =	shalt  }
0x7d: {  	_ =	shalt  }
0x7e: {  	_ =	shalt  }
0x7f: {  	_ =	shalt  }
0x80: {  	_ =	shalt  }
0x81: {  	_ =	shalt  }
0x82: {  	_ =	shalt  }
0x83: {  	_ =	shalt  }
0x84: {  	_ =	shalt  }
0x85: {  	_ =	shalt  }
0x86: {  	_ =	shalt  }
0x87: {  	_ =	shalt  }
.Lfunc_end0:
.L_simem_size_0:
called_computation_lowered:
.L_overlay_start_0:
0x88: {  	s2 =	sld [smem:$0x3FD9]  }
0x89: {  	s3 =	sld [smem:$0x3FFE];
	_ =	sdelay $0x1  }
0x8a: {  	s1 =	srdreg.scid  }
0x8b: {  	s0 =	sand.u32 $0x1, s1  }
0x8c: {  	s15 =	sshll.u32 s0, $0xA;
	s2 =	sadd.s32 s3, s2  }
0x8d: {  	s2 =	sadd.s32 s2, s15  }
0x8e: {  	[smem:$0x3FC5] =	sst s2  }
0x8f: {  	_ = 	snop  }
0x90: {  	s2 =	sld [smem:$0x3FD0]  }
0x91: {  	s16 =	sld [smem:$0x3FC9]  }
0x92: {  	s4 =	sld [smem:$0x3FC8]  }
0x93: {  	s6 =	simm.s32 $0xA;
	s7 =	simm.s32 $0x10;
	s5 =	sld [smem:$0x3FC7]  }
0x94: {  	[smem:s7], [sflag:s6] =	dma.local [hbm:s2], $0x1  }
0x95: {  	_ =	swait.eq [sflag:s6], $0x1  }
0x96: {  	[sflag:s6] =	ssyncset.done $0x0  }
0x97: {  	s17 =	sld [smem:$0x10];
	[sflag:s6] =	ssyncadd.s32 $0xFFFFFFFF  }
0x98: {  	s18 =	sld [smem:$0x11];
	(tm) =	ssettm $0x1  }
0x99: {  	s19 =	sld [smem:$0x3FFB];
	_ =	sdelay $0x3  }
0x9a: {  	_ =	strace s19  }
0x9b: {  	s7 =	sld [smem:$0x3FFC];
	_ =	sdelay $0x3  }
0x9c: {  	_ =	strace s7  }
0x9d: {  	s7 =	sld [smem:$0x3FFD];
	_ =	sdelay $0x3  }
0x9e: {  	_ =	strace s7  }
0x9f: {  	_ =	strace $0x8FFFFFFF  }
0xa0: {  	s20 =	sld [smem:$0x3FDB];
	_ =	sdelay $0x1  }
0xa1: {  	s8 =	simm.s32 $_scs_section_size  }
0xa2: {  	s9 =	simm.s32 $_size__tile_overlayer_lowered;
	s10 =	simm.s32 $_tile_overlayer_lowered  }
0xa3: {  	s23 =	simm.s32 $0x1BFF;
	s22 =	sshll.u32 s10, $0x1;
	s7 =	sadd.s32 s8, s20  }
0xa4: {  	s11 =	simm.s32 $0x0;
	s21 =	sshll.u32 s9, $0x1;
	s9 =	sadd.s32 s22, s7  }
0xa5: {  	[timem:s11], [sflag:s23] =	dma.local [hbm:s9], s21  }
0xa6: {  	_ =	swait.ge [sflag:s23], s21  }
0xa7: {  	s8 =	ssub.s32 $0x0, s21;
	[sflag:s23] =	ssyncset.done $0x0  }
0xa8: {  	[sflag:s23] =	ssyncadd.s32 s8;
	_ =	sdelay $0x1  }
0xa9: {  	s24 =	simm.s32 $0x1B8B  }
0xaa: {  	_ =	swait.ge [sflag:s24], $0x1  }
0xab: {  	[sflag:s24] =	ssyncset.done $0x0  }
0xac: {  	s25 =	simm.s32 $0x1B8E;
	[sflag:s24] =	ssyncadd.s32 $0xFFFFFFFF  }
0xad: {  	s26 =	simm.s32 $execute0_lowered;
	[smem:$0x3FD2] =	sst s25  }
0xae: {  	s8 =	sshll.u32 s26, $0x1;
	_ =	strace $0x80000046;
	[dreg:$0x1] =	wrdreg $0xFFFFFFFF  }
0xaf: {  	s28 =	simm.s32 $_size_execute0_lowered;
	s7 =	sadd.s32 s7, s8;
	[dreg:$0x0] =	wrdreg $0x0  }
0xb0: {  	s8 =	sshll.u32 s28, $0x1;
	[dreg:$0x2] =	wrdreg s7  }
0xb1: {  	[dreg:$0x3] =	wrdreg s8  }
0xb2: {  	[dreg:$0x4] =	wrdreg $0xC0  }
0xb3: {  	_ =	task [dreg:s11], $0x5FFFF  }
0xb4: {  	[dreg:$0x1] =	wrdreg $0xFFFFFFFF  }
0xb5: {  	[dreg:$0x0] =	wrdreg $0x60  }
0xb6: {  	[dreg:$0x2] =	wrdreg s16  }
0xb7: {  	[dreg:$0x3] =	wrdreg s4  }
0xb8: {  	[dreg:$0x4] =	wrdreg s5  }
0xb9: {  	[dreg:$0x5] =	wrdreg s17  }
0xba: {  	[dreg:$0x6] =	wrdreg s18  }
0xbb: {  	[dreg:$0x7] =	wrdreg $0x9  }
0xbc: {  	_ =	task.clear_ibuf [dreg:s11], $0x8FFFF;
	_ =	strace $0x90000046  }
0xbd: {  	s29 =	simm.s32 $0x9;
	_ =	strace $0x80000048  }
0xbe: {  	_ =	swait.ge [sflag:s29], $0x1  }
0xbf: {  	[sflag:s29] =	ssyncadd.s32 $0xFFFFFFFF  }
0xc0: {  	_ =	strace $0x90000048  }
0xc1: {  	_ =	sfence  }
0xc2: {  	s30 =	sld [smem:$0x0];
	_ =	sdelay $0x2  }
0xc3: {  	s31 =	sshll.u32 s1, $0xD;
	s1 =	sshrl.u32 s1, $0x2  }
0xc4: {  	s3 =	sand.u32 $0x4000, s31;
	s1 =	sadd.s32 s1, s30  }
0xc5: {  	s0 =	sor.u32 s3, s0;
	s1 =	sshll.u32 s1, $0x11  }
0xc6: {  	s0 =	sor.u32 s1, s0  }
0xc7: {  	s0 =	sadd.s32 $0x8F2B, s0  }
0xc8: {  	[sflag:s0] =	ssyncadd.remote.s32 $0x1  }
0xc9: {  	_ =	sfence.sel $0xFFFF  }
0xca: {  	[dreg:$0x0] =	wrdreg $0xFFFFFFFF;
	(pc) =	sbr.abs _section_cstart, $3  }
0xcb: {  	[dreg:$0x1] =	wrdreg $0xFFFFFFFF  }
0xcc: {  	_ =	task.clear_ibuf [dreg:s11], $0x2FFFF;
	_ =	strace $0x9FFFFFFF  }
0xcd: {  	(tm) =	ssettm $0x7FFFFFFF  }
tec
execute0_lowered:
.L_overlay_start_1:
0x0: {  	(tag) =	ssettag $0x1  }
0x1: {  	s1 =	rddreg [dreg:$0x0]  }
0x2: {  	s2 =	rddreg [dreg:$0x1]  }
0x3: {  	s3 =	rddreg [dreg:$0x2]  }
0x4: {  	s5 =	rddreg [dreg:$0x3]  }
0x5: {  	s6 =	rddreg [dreg:$0x4];
	s7 =	srdreg.scid  }
0x6: {  	s0 =	rddreg [dreg:$0x5];
	s4 =	stileid.u32;
	s12 =	simm.s32 $0x80  }
0x7: {  	s13 =	simm.s32 $0x3D00;
	s14 =	simm.s32 $0x1;
	s15 =	simm.s32 $0x7980  }
0x8: {  	s16 =	simm.s32 $0xF280;
	s17 =	simm.s32 $0x0;
	s8 =	sand.u32 $0x1, s7  }
0x9: {  	v0 =	vlaneseq.u32;
	s7 =	simm.s32 $0x0;
	s10 =	sshll.u32 s4, $0x1;
	s9 =	ssub.s32 $0x2, s8  }
0xa: {  	v0 =	vmul.u32 $0xFFFFFFFF, v0;
	[smem:$0x7FF] =	sst s7;
	s8 =	sor.u32 s8, s10;
	s11 =	sshrl.u32 s9, $0x1  }
0xb: {  	_ =	strace $0x80000047;
	s31 =	ssub.s32 $0x12F, s8;
	s30 =	ssub.s32 s9, s11  }
0xc: {  	v0 =	vadd.s32 $0xF, v0;
	s9 =	sshrl.u32 s31, $0x5;
	s11 =	simm.s32 $0x2;
	s10 =	smax.u32 s30, $0x1  }
.LBB2_1:
0xd: {  	[tilespmem:s7], [sflag:$0x2] =	stream.linear.gather [hbm4b:s3+s7], $0x80, $0x38;
	[tilespmem:$0x16B80] =	vst v63  }
0xe: {  	_ =	swait.ge [sflag:s11], $0x80  }
0xf: {  	[sflag:s11] =	ssyncset.done $0x0  }
0x10: {  	s18 =	simm.s32 $0x0;
	[sflag:s11] =	ssyncadd.s32 $0xFFFFFF80  }
.LBB2_2:
0x11: {  	s19 =	sshll.u32 s18, $0x5  }
0x12: {  	s19 =	sor.u32 s8, s19  }
0x13: {  	s20 =	smulhi.u32 $0x78787879, s19;
	s21 =	sshra.s32 s19, $0x1F  }
0x14: {  	s21 =	smul.u32 $0x78787879, s21;
	_ =	sdelay $0x1  }
0x15: {  	s20 =	sadd.s32 s21, s20  }
0x16: {  	s21 =	sshrl.u32 s20, $0x1F;
	s20 =	sshra.s32 s20, $0x3  }
0x17: {  	s20 =	sadd.s32 s21, s20  }
0x18: {  	s21 =	smul.u32 $0xFFFFFFEF, s20;
	_ =	sdelay $0x1  }
0x19: {  	s19 =	sadd.s32 s19, s21  }
0x1a: {  	v1 =	vmov s19;
	_ =	sdelay $0x4  }
0x1b: {  	v1 =	vld.idx.msk [tilespmem:v1+s7+$0x0], $0xffff;
	_ =	sdelay $0x4  }
0x1c: {  	v1 =	vxor.u32 $0x80000000, v1  }
0x1d: {  	(xrf0) =	vmax.scan.msk.u32 $0xffff, v1;
	_ =	sdelay $0x5  }
0x1e: {  	v1, _, _ =	vpop (xrf0)  }
0x1f: {  	(v2sf) =	vpush v1, $0xF;
	_ =	sdelay $0xe  }
0x20: {  	s20 =	smul.u32 $0x40480, s20;
	s31 =	spop (v2sf)  }
0x21: {  	s21 =	smul.u32 $0x3C80, s31;
	_ =	sdelay $0x1  }
0x22: {  	s21 =	sadd.s32 s20, s21  }
0x23: {  	s21 =	sshrl.u32 s21, $0x3  }
0x24: {  	s21 =	sadd.s32 s1, s21  }
0x25: {  	[tilespmem:s12], [sflag:$0x2] =	stream.linear.gather [hbm4b:s21+s7], $0x3C80, $0x38;
	[tilespmem:$0x16B80] =	vst v63  }
0x26: {  	_ =	swait.ge [sflag:s11], $0x3C80  }
0x27: {  	p0 =	seq.s32 s18, $0x0;
	[sflag:s11] =	ssyncset.done $0x0  }
0x28: {  	s21 =	simm.s32 @!p0 $0x1;
	[sflag:s11] =	ssyncadd.s32 $0xFFFFC380  }
0x29: {  	_ =	swait.ge @!p0 [sflag:s21], $0x3C80  }
0x2a: {  	[sflag:s21] =	ssyncset.done @!p0 $0x0  }
0x2b: {  	s22 =	simm.s32 $0x0;
	[sflag:s21] =	ssyncadd.s32 @!p0 $0xFFFFC380  }
0x2c: {  	v1 =	vld [tilespmem:s22+$0x89]  }
0x2d: {  	v4 =	vld [tilespmem:s22+$0x80]  }
0x2e: {  	v6 =	vld [tilespmem:s22+$0xE9]  }
0x2f: {  	v7 =	vld [tilespmem:s22+$0xD9]  }
0x30: {  	v5 =	vld [tilespmem:s22+$0xC9]  }
0x31: {  	v2 =	vld [tilespmem:s22+$0xB9];
	v8 =	vperm.xlane v1, v0  }
0x32: {  	v1 =	vld [tilespmem:s22+$0xA9];
	v9 =	vperm.xlane v4, v0  }
0x33: {  	s21 =	simm.s32 $0x80;
	v3 =	vld [tilespmem:s22+$0x99];
	v6 =	vperm.xlane v6, v0;
	[tilespmem:s22+$0x3D60] =	vst v8  }
0x34: {  	s23 =	simm.s32 $0x400;
	v7 =	vperm.xlane v7, v0;
	v4 =	vld [tilespmem:s21+$0x89];
	[tilespmem:s22+$0x3D69] =	vst v9  }
.LBB2_3:
0x35: {  	p0 =	sne.s32 s23, $0xF000;
	v8 =	vld [tilespmem:s21+$0x80];
	[tilespmem:s22+$0x3D00] =	vst v6;
	v5 =	vperm.xlane v5, v0  }
0x36: {  	v6 =	vld [tilespmem:s21+$0xE9];
	[tilespmem:s22+$0x3D10] =	vst v7;
	v2 =	vperm.xlane v2, v0  }
0x37: {  	v7 =	vld [tilespmem:s21+$0xD9];
	[tilespmem:s22+$0x3D20] =	vst v5;
	v1 =	vperm.xlane v1, v0  }
.Ltmp0:
0x38: {  	v5 =	vld [tilespmem:s21+$0xC9];
	[tilespmem:s22+$0x3D30] =	vst v2;
	v3 =	vperm.xlane v3, v0;
	(pc) =	sbr.rel @p0 .LBB2_3-.Ltmp0, $4  }
0x39: {  	v2 =	vld [tilespmem:s21+$0xB9];
	v4 =	vperm.xlane v4, v0;
	[tilespmem:s22+$0x3D40] =	vst v1  }
0x3a: {  	v1 =	vld [tilespmem:s21+$0xA9];
	v8 =	vperm.xlane v8, v0;
	[tilespmem:s22+$0x3D50] =	vst v3;
	s22 =	smov.u32 s21  }
0x3b: {  	s21 =	sshra.s32 s23, $0x2;
	v6 =	vperm.xlane v6, v0;
	v3 =	vld [tilespmem:s22+$0x99];
	[tilespmem:s22+$0x3D60] =	vst v4  }
0x3c: {  	s23 =	sadd.s32 $0x200, s23;
	v4 =	vld [tilespmem:s21+$0x89];
	v7 =	vperm.xlane v7, v0;
	[tilespmem:s22+$0x3D69] =	vst v8  }
0x3d: {  	v8 =	vld [tilespmem:s21+$0x80];
	[tilespmem:s22+$0x3D00] =	vst v6;
	v5 =	vperm.xlane v5, v0  }
0x3e: {  	v6 =	vld [tilespmem:s21+$0xE9];
	[tilespmem:s22+$0x3D10] =	vst v7;
	v2 =	vperm.xlane v2, v0  }
0x3f: {  	v7 =	vld [tilespmem:s21+$0xD9];
	[tilespmem:s22+$0x3D20] =	vst v5;
	v1 =	vperm.xlane v1, v0  }
0x40: {  	v5 =	vld [tilespmem:s21+$0xC9];
	[tilespmem:s22+$0x3D30] =	vst v2;
	v3 =	vperm.xlane v3, v0  }
0x41: {  	v2 =	vld [tilespmem:s21+$0xB9];
	[tilespmem:s22+$0x3D40] =	vst v1;
	v4 =	vperm.xlane v4, v0  }
0x42: {  	v1 =	vld [tilespmem:s21+$0xA9];
	[tilespmem:s22+$0x3D50] =	vst v3;
	v3 =	vperm.xlane v8, v0  }
0x43: {  	v62 =	vld [tilespmem:s21+$0x99];
	v6 =	vperm.xlane v6, v0;
	[tilespmem:s21+$0x3D60] =	vst v4  }
0x44: {  	v63 =	vperm.xlane v7, v0;
	[tilespmem:s21+$0x3D69] =	vst v3  }
0x45: {  	s18 =	sadd.s32 $0x1, s18;
	[tilespmem:s21+$0x3D00] =	vst v6;
	v3 =	vperm.xlane v5, v0  }
0x46: {  	s19 =	smul.u32 $0x3C80, s19;
	p0 =	sne.s32 s18, s9;
	[tilespmem:s21+$0x3D10] =	vst v63;
	v2 =	vperm.xlane v2, v0  }
.Ltmp1:
0x47: {  	[tilespmem:s21+$0x3D20] =	vst v3;
	v1 =	vperm.xlane v1, v0;
	(pc) =	sbr.rel @p0 .LBB2_2-.Ltmp1, $4  }
0x48: {  	s19 =	sadd.s32 s19, s20;
	[tilespmem:s21+$0x3D30] =	vst v2;
	v2 =	vperm.xlane v62, v0  }
0x49: {  	s19 =	sshrl.u32 s19, $0x3;
	[tilespmem:s21+$0x3D40] =	vst v1  }
0x4a: {  	s19 =	sadd.s32 s5, s19;
	[tilespmem:s21+$0x3D50] =	vst v2  }
0x4b: {  	[hbm4b:s19+s7] =	stream.linear.scatter [tilespmem:s13], [sflag:$0x1], $0x3C80, $0x38;
	[tilespmem:$0x16B80] =	vst v63  }
0x4c: {  	_ =	swait.ge [sflag:s14], $0x3C80  }
0x4d: {  	[sflag:s14] =	ssyncset.done $0x0  }
0x4e: {  	s18 =	simm.s32 $0x0;
	[sflag:s14] =	ssyncadd.s32 $0xFFFFC380  }
.LBB2_6:
0x4f: {  	s19 =	sshll.u32 s18, $0x5  }
0x50: {  	s19 =	sor.u32 s8, s19  }
0x51: {  	s20 =	smulhi.u32 $0x78787879, s19;
	s21 =	sshra.s32 s19, $0x1F  }
0x52: {  	s21 =	smul.u32 $0x78787879, s21;
	_ =	sdelay $0x1  }
0x53: {  	s20 =	sadd.s32 s21, s20  }
0x54: {  	s21 =	sshrl.u32 s20, $0x1F;
	s20 =	sshra.s32 s20, $0x3  }
0x55: {  	s20 =	sadd.s32 s21, s20  }
0x56: {  	s21 =	smul.u32 $0xFFFFFFEF, s20;
	_ =	sdelay $0x1  }
0x57: {  	s19 =	sadd.s32 s19, s21  }
0x58: {  	v1 =	vmov s19;
	_ =	sdelay $0x4  }
0x59: {  	v1 =	vld.idx.msk [tilespmem:v1+s7+$0x0], $0xffff;
	_ =	sdelay $0x4  }
0x5a: {  	v1 =	vxor.u32 $0x80000000, v1  }
0x5b: {  	(xrf0) =	vmax.scan.msk.u32 $0xffff, v1;
	_ =	sdelay $0x5  }
0x5c: {  	v1, _, _ =	vpop (xrf0)  }
0x5d: {  	(v2sf) =	vpush v1, $0xF;
	_ =	sdelay $0xe  }
0x5e: {  	s20 =	smul.u32 $0x80900, s20;
	s31 =	spop (v2sf)  }
0x5f: {  	s21 =	smul.u32 $0x7900, s31;
	_ =	sdelay $0x1  }
0x60: {  	s21 =	sadd.s32 s20, s21  }
0x61: {  	s21 =	sshrl.u32 s21, $0x3  }
0x62: {  	s21 =	sadd.s32 s2, s21  }
0x63: {  	[tilespmem:s15], [sflag:$0x2] =	stream.linear.gather [hbm4b:s21+s7], $0x7900, $0x38;
	[tilespmem:$0x16B80] =	vst v63  }
0x64: {  	_ =	swait.ge [sflag:s11], $0x7900  }
0x65: {  	p0 =	seq.s32 s18, $0x0;
	[sflag:s11] =	ssyncset.done $0x0  }
0x66: {  	s21 =	simm.s32 @!p0 $0x1;
	[sflag:s11] =	ssyncadd.s32 $0xFFFF8700  }
0x67: {  	_ =	swait.ge @!p0 [sflag:s21], $0x7900  }
0x68: {  	[sflag:s21] =	ssyncset.done @!p0 $0x0  }
0x69: {  	[sflag:s21] =	ssyncadd.s32 @!p0 $0xFFFF8700;
	s21 =	simm.s32 $0x0  }
0x6a: {  	v1 =	vld [tilespmem:s21+$0x7989];
	_ =	sdelay $0x1  }
0x6b: {  	v2 =	vld [tilespmem:s21+$0x7980]  }
0x6c: {  	v3 =	vld [tilespmem:s21+$0x79E9]  }
0x6d: {  	v5 =	vld [tilespmem:s21+$0x7A09]  }
0x6e: {  	v4 =	vld [tilespmem:s21+$0x79D9];
	v1 =	vperm.xlane v1, v0  }
0x6f: {  	v7 =	vld [tilespmem:s21+$0x79C9]  }
0x70: {  	v6 =	vld [tilespmem:s21+$0x7A00];
	v1 =	vsub.f32 $0.0e+00, v1  }
0x71: {  	v8 =	vld [tilespmem:s21+$0x79B9];
	v3 =	vperm.xlane v3, v0  }
0x72: {  	v9 =	vld [tilespmem:s21+$0x79A9];
	v2 =	vperm.xlane v2, v0;
	[tilespmem:s21+$0xF2E0] =	vst v1;
	v1 =	vperm.xlane v5, v0  }
0x73: {  	v10 =	vld [tilespmem:s21+$0x7999];
	v3 =	vsub.f32 $0.0e+00, v3  }
0x74: {  	v11 =	vld [tilespmem:s21+$0x7A59];
	v2 =	vsub.f32 $0.0e+00, v2;
	[tilespmem:s21+$0xF360] =	vst v1;
	v1 =	vperm.xlane v4, v0;
	v4 =	vperm.xlane v7, v0  }
0x75: {  	v12 =	vld [tilespmem:s21+$0x7A49];
	v5 =	vperm.xlane v6, v0;
	[tilespmem:s21+$0xF280] =	vst v3  }
0x76: {  	[tilespmem:s21+$0xF2E9] =	vst v2;
	v2 =	vld [tilespmem:s21+$0x7A69];
	v1 =	vsub.f32 $0.0e+00, v1;
	v3 =	vsub.f32 $0.0e+00, v4;
	v4 =	vperm.xlane v8, v0  }
0x77: {  	v13 =	vld [tilespmem:s21+$0x7A39];
	[tilespmem:s21+$0xF369] =	vst v5;
	v5 =	vperm.xlane v9, v0  }
0x78: {  	v7 =	vperm.xlane v10, v0;
	[tilespmem:s21+$0xF290] =	vst v1;
	v1 =	vld [tilespmem:s21+$0x7A29];
	v6 =	vsub.f32 $0.0e+00, v4  }
0x79: {  	s22 =	simm.s32 $0x100;
	v8 =	vsub.f32 $0.0e+00, v5;
	[tilespmem:s21+$0xF2A0] =	vst v3;
	v3 =	vld [tilespmem:s21+$0x7A19]  }
0x7a: {  	v9 =	vsub.f32 $0.0e+00, v7;
	v4 =	vld [tilespmem:s22+$0x7989];
	[tilespmem:s21+$0xF2B0] =	vst v6  }
0x7b: {  	v7 =	vperm.xlane v12, v0;
	v6 =	vperm.xlane v2, v0;
	v5 =	vld [tilespmem:s22+$0x7980];
	[tilespmem:s21+$0xF2C0] =	vst v8  }
0x7c: {  	s23 =	simm.s32 $0x800;
	v8 =	vperm.xlane v11, v0;
	v2 =	vld [tilespmem:s22+$0x79E9];
	[tilespmem:s21+$0xF2D0] =	vst v9;
	v9 =	vperm.xlane v13, v0  }
.LBB2_7:
0x7d: {  	p0 =	sne.s32 s23, $0x1E000;
	v10 =	vld [tilespmem:s22+$0x79D9];
	[tilespmem:s21+$0xF300] =	vst v6;
	v1 =	vperm.xlane v1, v0  }
0x7e: {  	v6 =	vld [tilespmem:s22+$0x7A09];
	[tilespmem:s21+$0xF310] =	vst v8;
	v3 =	vperm.xlane v3, v0  }
0x7f: {  	v4 =	vperm.xlane v4, v0;
	v8 =	vld [tilespmem:s22+$0x7A00];
	[tilespmem:s21+$0xF320] =	vst v7  }
0x80: {  	v7 =	vld [tilespmem:s22+$0x79C9];
	v5 =	vperm.xlane v5, v0;
	[tilespmem:s21+$0xF330] =	vst v9  }
0x81: {  	v2 =	vperm.xlane v2, v0;
	v9 =	vld [tilespmem:s22+$0x79B9];
	v4 =	vsub.f32 $0.0e+00, v4;
	[tilespmem:s21+$0xF340] =	vst v1  }
0x82: {  	v1 =	vperm.xlane v10, v0;
	v10 =	vld [tilespmem:s22+$0x79A9];
	v5 =	vsub.f32 $0.0e+00, v5;
	[tilespmem:s21+$0xF350] =	vst v3;
	s21 =	smov.u32 s22  }
0x83: {  	v2 =	vsub.f32 $0.0e+00, v2;
	v3 =	vld [tilespmem:s21+$0x7999];
	[tilespmem:s21+$0xF2E0] =	vst v4;
	v4 =	vperm.xlane v6, v0  }
0x84: {  	v1 =	vsub.f32 $0.0e+00, v1;
	[tilespmem:s21+$0xF2E9] =	vst v5;
	v5 =	vld [tilespmem:s21+$0x7A69];
	v6 =	vperm.xlane v8, v0  }
0x85: {  	v7 =	vperm.xlane v7, v0;
	v8 =	vld [tilespmem:s21+$0x7A59];
	[tilespmem:s21+$0xF360] =	vst v4  }
0x86: {  	v4 =	vperm.xlane v9, v0;
	v9 =	vld [tilespmem:s21+$0x7A49];
	[tilespmem:s21+$0xF369] =	vst v6  }
0x87: {  	[tilespmem:s21+$0xF280] =	vst v2;
	v2 =	vsub.f32 $0.0e+00, v7;
	v6 =	vperm.xlane v10, v0;
	v10 =	vld [tilespmem:s21+$0x7A39]  }
.Ltmp2:
0x88: {  	[tilespmem:s21+$0xF290] =	vst v1;
	v7 =	vsub.f32 $0.0e+00, v4;
	v11 =	vperm.xlane v3, v0;
	v1 =	vld [tilespmem:s21+$0x7A29];
	(pc) =	sbr.rel @p0 .LBB2_7-.Ltmp2, $4  }
0x89: {  	s22 =	sshra.s32 s23, $0x2;
	[tilespmem:s21+$0xF2A0] =	vst v2;
	v2 =	vsub.f32 $0.0e+00, v6;
	v6 =	vperm.xlane v5, v0;
	v3 =	vld [tilespmem:s21+$0x7A19]  }
0x8a: {  	v4 =	vld [tilespmem:s22+$0x7989];
	[tilespmem:s21+$0xF2B0] =	vst v7;
	v11 =	vsub.f32 $0.0e+00, v11;
	v8 =	vperm.xlane v8, v0  }
0x8b: {  	v5 =	vld [tilespmem:s22+$0x7980];
	[tilespmem:s21+$0xF2C0] =	vst v2;
	v7 =	vperm.xlane v9, v0  }
0x8c: {  	s23 =	sadd.s32 $0x400, s23;
	v2 =	vld [tilespmem:s22+$0x79E9];
	[tilespmem:s21+$0xF2D0] =	vst v11;
	v9 =	vperm.xlane v10, v0  }
0x8d: {  	v10 =	vld [tilespmem:s22+$0x79D9];
	[tilespmem:s21+$0xF300] =	vst v6  }
0x8e: {  	v6 =	vld [tilespmem:s22+$0x7A09];
	[tilespmem:s21+$0xF310] =	vst v8  }
0x8f: {  	v1 =	vperm.xlane v1, v0;
	v8 =	vld [tilespmem:s22+$0x7A00];
	[tilespmem:s21+$0xF320] =	vst v7  }
0x90: {  	v4 =	vperm.xlane v4, v0;
	v7 =	vld [tilespmem:s22+$0x79C9];
	[tilespmem:s21+$0xF330] =	vst v9  }
0x91: {  	v3 =	vperm.xlane v3, v0;
	v9 =	vld [tilespmem:s22+$0x79B9];
	[tilespmem:s21+$0xF340] =	vst v1;
	v1 =	vperm.xlane v5, v0  }
0x92: {  	v4 =	vsub.f32 $0.0e+00, v4;
	v2 =	vperm.xlane v2, v0  }
0x93: {  	v57 =	vld [tilespmem:s22+$0x79A9];
	[tilespmem:s21+$0xF350] =	vst v3;
	v1 =	vsub.f32 $0.0e+00, v1  }
0x94: {  	v3 =	vld [tilespmem:s22+$0x7999];
	[tilespmem:s22+$0xF2E0] =	vst v4;
	v2 =	vsub.f32 $0.0e+00, v2  }
0x95: {  	v58 =	vld [tilespmem:s22+$0x7A69];
	[tilespmem:s22+$0xF2E9] =	vst v1;
	v1 =	vperm.xlane v6, v0;
	v7 =	vperm.xlane v7, v0  }
0x96: {  	v8 =	vperm.xlane v8, v0;
	[tilespmem:s22+$0xF280] =	vst v2;
	v61 =	vperm.xlane v9, v0  }
0x97: {  	v2 =	vld [tilespmem:s22+$0x7A39];
	[tilespmem:s22+$0xF360] =	vst v1;
	v1 =	vperm.xlane v10, v0;
	v7 =	vsub.f32 $0.0e+00, v7  }
0x98: {  	[tilespmem:s22+$0xF369] =	vst v8;
	v8 =	vsub.f32 $0.0e+00, v61  }
0x99: {  	v60 =	vld [tilespmem:s22+$0x7A49];
	v3 =	vperm.xlane v3, v0;
	v1 =	vsub.f32 $0.0e+00, v1;
	[tilespmem:s22+$0xF2A0] =	vst v7  }
0x9a: {  	v59 =	vld [tilespmem:s22+$0x7A59];
	v4 =	vperm.xlane v58, v0;
	[tilespmem:s22+$0xF2B0] =	vst v8  }
0x9b: {  	v63 =	vld [tilespmem:s22+$0x7A19];
	v3 =	vsub.f32 $0.0e+00, v3;
	[tilespmem:s22+$0xF290] =	vst v1;
	v1 =	vperm.xlane v57, v0  }
0x9c: {  	v62 =	vld [tilespmem:s22+$0x7A29];
	[tilespmem:s22+$0xF300] =	vst v4;
	v2 =	vperm.xlane v2, v0  }
0x9d: {  	[tilespmem:s22+$0xF2D0] =	vst v3;
	v1 =	vsub.f32 $0.0e+00, v1  }
0x9e: {  	s18 =	sadd.s32 $0x1, s18;
	v3 =	vperm.xlane v60, v0;
	[tilespmem:s22+$0xF330] =	vst v2  }
0x9f: {  	s19 =	smul.u32 $0x7900, s19;
	p0 =	sne.s32 s18, s9;
	[tilespmem:s22+$0xF2C0] =	vst v1;
	v1 =	vperm.xlane v59, v0  }
.Ltmp3:
0xa0: {  	[tilespmem:s22+$0xF320] =	vst v3;
	v3 =	vperm.xlane v63, v0;
	(pc) =	sbr.rel @p0 .LBB2_6-.Ltmp3, $4  }
0xa1: {  	s19 =	sadd.s32 s19, s20;
	[tilespmem:s22+$0xF310] =	vst v1;
	v1 =	vperm.xlane v62, v0  }
0xa2: {  	s19 =	sshrl.u32 s19, $0x3;
	[tilespmem:s22+$0xF350] =	vst v3  }
0xa3: {  	s19 =	sadd.s32 s6, s19;
	[tilespmem:s22+$0xF340] =	vst v1  }
0xa4: {  	[hbm4b:s19+s7] =	stream.linear.scatter [tilespmem:s16], [sflag:$0x1], $0x7900, $0x38;
	[tilespmem:$0x16B80] =	vst v63  }
0xa5: {  	s17 =	sadd.s32 $0x1, s17  }
0xa6: {  	p0 =	sne.s32 s17, s10  }
.Ltmp4:
0xa7: {  	_ = 	snop;
	(pc) =	sbr.rel @p0 .LBB2_1-.Ltmp4, $4  }
0xa8: {  	_ = 	snop  }
0xa9: {  	_ =	swait.ge [sflag:s14], $0x7900  }
0xaa: {  	[sflag:s14] =	ssyncset.done $0x0  }
0xab: {  	[sflag:s14] =	ssyncadd.s32 $0xFFFF8700  }
0xac: {  	_ =	sfence.sel $0x180000  }
0xad: {  	[bflag:$0x0] =	sbarrier.arrive $0xFFFF  }
0xae: {  	p0 =	sne.s32 s4, $0x0;
	_ =	strace $0x90000047  }
0xaf: {  	s0 =	sadd.s32 @!p0 $0x100000, s0;
	[bflag:$0x2] =	sbarrier.arrive $0xFFFF  }
0xb0: {  	[sflag:s0] =	ssyncadd.tile.s32 @!p0 $0x1;
	_ =	shalt  }
.Lfunc_end2:
_tile_overlayer_lowered:
.L_overlay_start_2:
0xb1: {  	(tag) =	ssettag $0x2  }
0xb2: {  	s0 =	rddreg [dreg:$0x0];
	s2 =	stileid.u32  }
0xb3: {  	s1 =	rddreg [dreg:$0x1];
	p0 =	sne.s32 s2, $0x0  }
0xb4: {  	s3 =	rddreg [dreg:$0x2];
	[bflag:$0x3] =	sbarrier.arrive $0xFFFF;
	s2 =	simm.s32 @!p0 $0x1C02  }
0xb5: {  	[timem:s3], [sflag:s2] =	dma.local @!p0 [hbm:s0], s1  }
0xb6: {  	s0 =	simm.s32 @!p0 $0x2  }
0xb7: {  	_ =	swait.ge @!p0 [sflag:s0], s1  }
0xb8: {  	s1 =	ssub.s32 @!p0 $0x0, s1;
	[sflag:s0] =	ssyncset.done @!p0 $0x0  }
0xb9: {  	[sflag:s0] =	ssyncadd.s32 @!p0 s1  }
0xba: {  	[bflag:$0x3] =	sbarrier.arrive $0xFFFF  }
0xbb: {  	_ =	shalt  }

</sc_bundles>
